<compile_context>
chip_gen: v7x
topology: tpu7x:2x2x1
jax: 0.10.2.dev20260603
libtpu: 0.0.44.dev20260713+nightly
codegen_flags: <defaults>
</compile_context>

<pallas_src>
import functools

import jax
import jax.numpy as jnp
from jax import lax
from jax.experimental import pallas as pl
from jax.experimental.pallas import tpu as pltpu
from jax.experimental.pallas import tpu_sc as plsc

NC = 2
NS = 16
NW = NC * NS
CH = 80


def _deg_mesh_kernel(N, rows_per_tile):
    mesh = plsc.VectorSubcoreMesh(core_axis_name="c", subcore_axis_name="s")
    n16 = N // 16
    copiers = N // 1000

    @functools.partial(
        pl.kernel,
        mesh=mesh,
        compiler_params=pltpu.CompilerParams(use_tc_tiling_on_sc=False),
        out_type=jax.ShapeDtypeStruct((NC * N,), jnp.float32),
        scratch_types=[
            pltpu.VMEM((rows_per_tile, CH), jnp.int32),
            pltpu.VMEM((CH,), jnp.float32),
            pltpu.VMEM((N,), jnp.float32),
            pltpu.VMEM_SHARED((N,), jnp.float32),
            pltpu.SemaphoreType.DMA,
        ],
    )
    def deg_kernel(ei_hbm, out_hbm, idx_v, ones_v, zbuf_v, acc_sh, dsem):
        c = lax.axis_index("c")
        s = lax.axis_index("s")

        pltpu.sync_copy(
            ei_hbm.at[1, s, pl.ds(c * rows_per_tile, rows_per_tile)], idx_v)

        for j in range(CH // 16):
            ones_v[pl.ds(j * 16, 16)] = jnp.ones((16,), jnp.float32)

        @pl.when(s == 0)
        def _():
            def zb(i, carry):
                zbuf_v[pl.ds(i * 16, 16)] = jnp.zeros((16,), jnp.float32)
                return carry
            lax.fori_loop(0, n16, zb, None)
            pltpu.sync_copy(zbuf_v, acc_sh)

        plsc.subcore_barrier()

        def body(i, carry):
            pltpu.async_copy(ones_v, acc_sh.at[idx_v.at[i]], dsem, add=True)
            return carry
        lax.fori_loop(0, rows_per_tile, body, None)

        def drain(i, carry):
            pltpu.make_async_copy(ones_v, acc_sh.at[idx_v.at[0]], dsem).wait()
            return carry
        lax.fori_loop(0, rows_per_tile, drain, None)

        plsc.subcore_barrier()

        @pl.when(s < copiers)
        def _():
            pltpu.sync_copy(acc_sh.at[pl.ds(s * 1000, 1000)],
                            zbuf_v.at[pl.ds(0, 1000)])
            pltpu.sync_copy(zbuf_v.at[pl.ds(0, 1000)],
                            out_hbm.at[pl.ds(c * N + s * 1000, 1000)])

    return deg_kernel


def _agg_mesh_kernel(N, C2, rows_per_tile):
    mesh = plsc.VectorSubcoreMesh(core_axis_name="c", subcore_axis_name="s")
    NB = 6
    PF = NB // 2
    zrows = 250
    assert zrows <= NB * CH and 1000 % zrows == 0
    copiers = N // 1000

    @functools.partial(
        pl.kernel,
        mesh=mesh,
        compiler_params=pltpu.CompilerParams(use_tc_tiling_on_sc=False),
        out_type=jax.ShapeDtypeStruct((NC, N, C2), jnp.float32),
        scratch_types=[
            pltpu.VMEM((rows_per_tile, CH), jnp.int32),
            pltpu.VMEM((rows_per_tile, CH), jnp.int32),
            pltpu.VMEM((NB * CH, C2), jnp.float32),
            pltpu.VMEM_SHARED((N, C2), jnp.float32),
            pltpu.SemaphoreType.DMA((NB,)),
            pltpu.SemaphoreType.DMA((NB,)),
        ],
    )
    def agg_kernel(ys_hbm, ei_hbm, out_hbm,
                   src_v, dst_v, rows_v, acc_sh, gsem, ssem):
        c = lax.axis_index("c")
        s = lax.axis_index("s")
        y_c = ys_hbm.at[c]
        out_c = out_hbm.at[c]

        def bankref(b):
            return rows_v.at[pl.ds(b * CH, CH)]

        pltpu.sync_copy(ei_hbm.at[0, s], src_v)
        pltpu.sync_copy(ei_hbm.at[1, s], dst_v)

        def zb(i, carry):
            for j in range(C2 // 16):
                rows_v[i, pl.ds(j * 16, 16)] = jnp.zeros((16,), jnp.float32)
            return carry
        lax.fori_loop(0, zrows, zb, None)

        @pl.when(s < copiers)
        def _():
            for k in range(1000 // zrows):
                pltpu.sync_copy(rows_v.at[pl.ds(0, zrows)],
                                acc_sh.at[pl.ds(s * 1000 + k * zrows, zrows)])

        plsc.subcore_barrier()

        for k in range(PF):
            pltpu.async_copy(y_c.at[src_v.at[k]], bankref(k), gsem.at[k])

        def body(i, carry):
            bank = lax.rem(i, NB)
            fbank = lax.rem(i + PF, NB)

            @pl.when(i >= PF)
            def _():
                pltpu.make_async_copy(bankref(fbank),
                                      acc_sh.at[dst_v.at[i - PF]],
                                      ssem.at[fbank]).wait()

            @pl.when(i + PF < rows_per_tile)
            def _():
                pltpu.async_copy(y_c.at[src_v.at[i + PF]],
                                 bankref(fbank), gsem.at[fbank])

            pltpu.make_async_copy(y_c.at[src_v.at[i]], bankref(bank),
                                  gsem.at[bank]).wait()

            pltpu.async_copy(bankref(bank), acc_sh.at[dst_v.at[i]],
                             ssem.at[bank], add=True)
            return carry
        lax.fori_loop(0, rows_per_tile, body, None)

        for k in range(PF, 0, -1):
            last = rows_per_tile - k
            pltpu.make_async_copy(bankref(lax.rem(last, NB)),
                                  acc_sh.at[dst_v.at[last]],
                                  ssem.at[lax.rem(last, NB)]).wait()

        plsc.subcore_barrier()

        @pl.when(s < copiers)
        def _():
            for k in range(1000 // zrows):
                pltpu.sync_copy(acc_sh.at[pl.ds(s * 1000 + k * zrows, zrows)],
                                rows_v.at[pl.ds(0, zrows)])
                pltpu.sync_copy(rows_v.at[pl.ds(0, zrows)],
                                out_c.at[pl.ds(s * 1000 + k * zrows, zrows)])

    return agg_kernel


def _matmul_tc_kernel(x_ref, w_ref, xw_ref):
    xw_ref[...] = jnp.dot(x_ref[...], w_ref[...],
                          preferred_element_type=jnp.float32)


def _scale_tc_kernel(xw_ref, degt_ref, ys_ref):
    C2 = ys_ref.shape[2]
    deg = degt_ref[:, 0:1] + degt_ref[:, 1:2] + 1.0
    dis = lax.rsqrt(deg)
    y = xw_ref[...] * dis
    ys_ref[0] = y[:, :C2]
    ys_ref[1] = y[:, C2:]


def _final_tc_kernel(agg_ref, ys_ref, degt_ref, b_ref, out_ref):
    deg = degt_ref[:, 0:1] + degt_ref[:, 1:2] + 1.0
    dis = lax.rsqrt(deg)
    z = jnp.concatenate([agg_ref[0] + ys_ref[0], agg_ref[1] + ys_ref[1]],
                        axis=1) * dis
    out_ref[...] = z + b_ref[...]


def kernel(x, edge_index, W, b):
    N, C = x.shape
    C2 = C // 2
    E = edge_index.shape[1]
    assert E % (NW * CH) == 0 and N % 1000 == 0 and C % 32 == 0
    deg_rows_per_tile = E // CH // NW
    agg_rows_per_tile = E // CH // NS

    ei3 = edge_index.astype(jnp.int32).reshape(2, NS, agg_rows_per_tile, CH)

    blk = 1000
    grid = (N // blk,)

    xw = pl.pallas_call(
        _matmul_tc_kernel,
        grid=grid,
        in_specs=[
            pl.BlockSpec((blk, C), lambda i: (i, 0)),
            pl.BlockSpec((C, C), lambda i: (0, 0)),
        ],
        out_specs=pl.BlockSpec((blk, C), lambda i: (i, 0)),
        out_shape=jax.ShapeDtypeStruct((N, C), jnp.float32),
    )(x, W)

    degp = _deg_mesh_kernel(N, deg_rows_per_tile)(ei3).reshape(NC, N)
    degt = jnp.transpose(degp)

    ys = pl.pallas_call(
        _scale_tc_kernel,
        grid=grid,
        in_specs=[
            pl.BlockSpec((blk, C), lambda i: (i, 0)),
            pl.BlockSpec((blk, NC), lambda i: (i, 0)),
        ],
        out_specs=pl.BlockSpec((NC, blk, C2), lambda i: (0, i, 0)),
        out_shape=jax.ShapeDtypeStruct((NC, N, C2), jnp.float32),
    )(xw, degt)

    agg = _agg_mesh_kernel(N, C2, agg_rows_per_tile)(ys, ei3)

    out = pl.pallas_call(
        _final_tc_kernel,
        grid=grid,
        in_specs=[
            pl.BlockSpec((NC, blk, C2), lambda i: (0, i, 0)),
            pl.BlockSpec((NC, blk, C2), lambda i: (0, i, 0)),
            pl.BlockSpec((blk, NC), lambda i: (i, 0)),
            pl.BlockSpec((1, C), lambda i: (0, 0)),
        ],
        out_specs=pl.BlockSpec((blk, C), lambda i: (i, 0)),
        out_shape=jax.ShapeDtypeStruct((N, C), jnp.float32),
    )(agg, ys, degt, b.reshape(1, C))
    return out

# --- scband reference (transcript-rebuilt; emitter-appended) ---
"""Pipeline reference for scband-gcnlayer-80857054315142 (READ-ONLY COPY).

The authoritative reference and input builder live on the scoring server;
editing this copy changes nothing except your own understanding.
"""

import jax, jax.numpy as jnp
import numpy as np

N_NODES = 10000
N_EDGES = 320000
IN_CH = 128
HID_CH = 128


def setup_inputs(seed: int = 0) -> dict:
    key = jax.random.key(seed)
    k1, k2, k3, k4 = jax.random.split(key, 4)
    x = jax.random.normal(k1, (N_NODES, IN_CH), dtype=jnp.float32)
    edge_index = jax.random.randint(k2, (2, N_EDGES), 0, N_NODES, dtype=jnp.int64)
    # GCNConv learned params: weight [in, out] (glorot-ish) and bias [out]
    W = jax.random.normal(k3, (IN_CH, HID_CH), dtype=jnp.float32) * (1.0 / np.sqrt(IN_CH))
    b = jnp.zeros((HID_CH,), dtype=jnp.float32)
    return {"x": x, "edge_index": edge_index, "W": W, "b": b}


def reference(x, edge_index, W, b):
    # Faithful PyG GCNConv: add self-loops, symmetric normalization,
    # out = D^{-1/2} (A + I) D^{-1/2} X W + b
    N = x.shape[0]
    src = edge_index[0]
    dst = edge_index[1]
    loop = jnp.arange(N, dtype=edge_index.dtype)
    src = jnp.concatenate([src, loop], axis=0)
    dst = jnp.concatenate([dst, loop], axis=0)

    xw = x @ W  # linear transform first (in -> hidden)

    # degree computed on dst with edge weight 1.0 (incl. self loops)
    deg = jnp.zeros((N,), dtype=xw.dtype).at[dst].add(1.0)
    deg_inv_sqrt = jnp.where(deg > 0, jax.lax.rsqrt(jnp.maximum(deg, 1e-12)), 0.0)
    norm = deg_inv_sqrt[src] * deg_inv_sqrt[dst]

    msg = xw[src] * norm[:, None]  # gather + scale
    out = jnp.zeros((N, xw.shape[1]), dtype=xw.dtype).at[dst].add(msg)  # scatter-add
    return out + b

if __name__ == "__main__":
    import jax
    _d = setup_inputs()
    print(jax.jit(kernel)(*tuple(_d.values())))

</pallas_src>

<mosaic_0001>
#map = affine_map<(d0, d1) -> (0, 0, 0)>
#map1 = affine_map<(d0, d1) -> (0, 0, 0, 0)>
module attributes {stable_mosaic.version = 14 : i64} {
  func.func @agg_kernel(%arg0: i32, %arg1: i32, %arg2: memref<2x10000x64xf32, #tpu.memory_space<hbm>>, %arg3: memref<2x16x250x80xi32, #tpu.memory_space<hbm>>, %arg4: memref<2x10000x64xf32, #tpu.memory_space<hbm>>, %arg5: memref<250x80xi32, #tpu.memory_space<vmem>>, %arg6: memref<250x80xi32, #tpu.memory_space<vmem>>, %arg7: memref<480x64xf32, #tpu.memory_space<vmem>>, %arg8: memref<10000x64xf32, #tpu.memory_space<vmem_shared>>, %arg9: memref<6x!tpu.dma_semaphore, #tpu.memory_space<semaphore_mem>>, %arg10: memref<6x!tpu.dma_semaphore, #tpu.memory_space<semaphore_mem>>) attributes {dimension_semantics = [#tpu.dimension_semantics<core_parallel>, #tpu.dimension_semantics<subcore_parallel>], iteration_bounds = array<i64: 2, 16>, scalar_prefetch = 0 : i64, scratch_operands = 6 : i64, tpu.core_type = #tpu.core_type<sc_vector_subcore>, window_params = [{transform_indices = #map}, {transform_indices = #map1}, {transform_indices = #map}]} {
    %run_scoped3A = arith.constant 0 : i32
    "tpu.region"() ({
      %run_scoped3A_122 = tpu.sem_alloc : memref<!tpu.dma_semaphore, #tpu.memory_space<semaphore_mem>>
      %dma_start3A_123 = arith.constant 0 : i32
      %dma_start3A_124 = arith.constant 0 : i32
      %dma_start3A_125 = tpu.memref_slice %arg3[%run_scoped3A, %arg1, %dma_start3A_123, %dma_start3A_124] : memref<2x16x250x80xi32, #tpu.memory_space<hbm>> -> memref<1x1x250x80xi32, #tpu.memory_space<hbm>>
      %dma_start3A_126 = tpu.memref_squeeze %dma_start3A_125 : memref<1x1x250x80xi32, #tpu.memory_space<hbm>> -> memref<250x80xi32, #tpu.memory_space<hbm>>
      %dma_start3A_127 = arith.constant 0 : i32
      %dma_start3A_128 = arith.constant 0 : i32
      %dma_start3A_129 = tpu.memref_slice %arg3[%run_scoped3A, %arg1, %dma_start3A_127, %dma_start3A_128] : memref<2x16x250x80xi32, #tpu.memory_space<hbm>> -> memref<1x1x250x80xi32, #tpu.memory_space<hbm>>
      %dma_start3A_130 = tpu.memref_squeeze %dma_start3A_129 : memref<1x1x250x80xi32, #tpu.memory_space<hbm>> -> memref<250x80xi32, #tpu.memory_space<hbm>>
      tpu.enqueue_dma source(%dma_start3A_130 : memref<250x80xi32, #tpu.memory_space<hbm>>) target(%arg5 : memref<250x80xi32, #tpu.memory_space<vmem>>) target_semaphore(%run_scoped3A_122 : memref<!tpu.dma_semaphore, #tpu.memory_space<semaphore_mem>>)
      %dma_wait3A_131 = arith.constant 0 : i32
      %dma_wait3A_132 = arith.constant 0 : i32
      %dma_wait3A_133 = tpu.memref_slice %arg3[%run_scoped3A, %arg1, %dma_wait3A_131, %dma_wait3A_132] : memref<2x16x250x80xi32, #tpu.memory_space<hbm>> -> memref<1x1x250x80xi32, #tpu.memory_space<hbm>>
      %dma_wait3A_134 = tpu.memref_squeeze %dma_wait3A_133 : memref<1x1x250x80xi32, #tpu.memory_space<hbm>> -> memref<250x80xi32, #tpu.memory_space<hbm>>
      %dma_wait3A_135 = arith.constant 0 : i32
      %dma_wait3A_136 = arith.constant 0 : i32
      %dma_wait3A_137 = tpu.memref_slice %arg3[%run_scoped3A, %arg1, %dma_wait3A_135, %dma_wait3A_136] : memref<2x16x250x80xi32, #tpu.memory_space<hbm>> -> memref<1x1x250x80xi32, #tpu.memory_space<hbm>>
      %dma_wait3A_138 = tpu.memref_squeeze %dma_wait3A_137 : memref<1x1x250x80xi32, #tpu.memory_space<hbm>> -> memref<250x80xi32, #tpu.memory_space<hbm>>
      tpu.wait_dma2 semaphore(%run_scoped3A_122 : memref<!tpu.dma_semaphore, #tpu.memory_space<semaphore_mem>>) src(%dma_wait3A_138 : memref<250x80xi32, #tpu.memory_space<hbm>>) dst(%arg5 : memref<250x80xi32, #tpu.memory_space<vmem>>)
      tpu.yield
    }) : () -> ()
    %run_scoped3A_0 = arith.constant 1 : i32
    "tpu.region"() ({
      %run_scoped3A_122 = tpu.sem_alloc : memref<!tpu.dma_semaphore, #tpu.memory_space<semaphore_mem>>
      %dma_start3A_123 = arith.constant 0 : i32
      %dma_start3A_124 = arith.constant 0 : i32
      %dma_start3A_125 = tpu.memref_slice %arg3[%run_scoped3A_0, %arg1, %dma_start3A_123, %dma_start3A_124] : memref<2x16x250x80xi32, #tpu.memory_space<hbm>> -> memref<1x1x250x80xi32, #tpu.memory_space<hbm>>
      %dma_start3A_126 = tpu.memref_squeeze %dma_start3A_125 : memref<1x1x250x80xi32, #tpu.memory_space<hbm>> -> memref<250x80xi32, #tpu.memory_space<hbm>>
      %dma_start3A_127 = arith.constant 0 : i32
      %dma_start3A_128 = arith.constant 0 : i32
      %dma_start3A_129 = tpu.memref_slice %arg3[%run_scoped3A_0, %arg1, %dma_start3A_127, %dma_start3A_128] : memref<2x16x250x80xi32, #tpu.memory_space<hbm>> -> memref<1x1x250x80xi32, #tpu.memory_space<hbm>>
      %dma_start3A_130 = tpu.memref_squeeze %dma_start3A_129 : memref<1x1x250x80xi32, #tpu.memory_space<hbm>> -> memref<250x80xi32, #tpu.memory_space<hbm>>
      tpu.enqueue_dma source(%dma_start3A_130 : memref<250x80xi32, #tpu.memory_space<hbm>>) target(%arg6 : memref<250x80xi32, #tpu.memory_space<vmem>>) target_semaphore(%run_scoped3A_122 : memref<!tpu.dma_semaphore, #tpu.memory_space<semaphore_mem>>)
      %dma_wait3A_131 = arith.constant 0 : i32
      %dma_wait3A_132 = arith.constant 0 : i32
      %dma_wait3A_133 = tpu.memref_slice %arg3[%run_scoped3A_0, %arg1, %dma_wait3A_131, %dma_wait3A_132] : memref<2x16x250x80xi32, #tpu.memory_space<hbm>> -> memref<1x1x250x80xi32, #tpu.memory_space<hbm>>
      %dma_wait3A_134 = tpu.memref_squeeze %dma_wait3A_133 : memref<1x1x250x80xi32, #tpu.memory_space<hbm>> -> memref<250x80xi32, #tpu.memory_space<hbm>>
      %dma_wait3A_135 = arith.constant 0 : i32
      %dma_wait3A_136 = arith.constant 0 : i32
      %dma_wait3A_137 = tpu.memref_slice %arg3[%run_scoped3A_0, %arg1, %dma_wait3A_135, %dma_wait3A_136] : memref<2x16x250x80xi32, #tpu.memory_space<hbm>> -> memref<1x1x250x80xi32, #tpu.memory_space<hbm>>
      %dma_wait3A_138 = tpu.memref_squeeze %dma_wait3A_137 : memref<1x1x250x80xi32, #tpu.memory_space<hbm>> -> memref<250x80xi32, #tpu.memory_space<hbm>>
      tpu.wait_dma2 semaphore(%run_scoped3A_122 : memref<!tpu.dma_semaphore, #tpu.memory_space<semaphore_mem>>) src(%dma_wait3A_138 : memref<250x80xi32, #tpu.memory_space<hbm>>) dst(%arg6 : memref<250x80xi32, #tpu.memory_space<vmem>>)
      tpu.yield
    }) : () -> ()
    %scan3A = arith.constant 0 : i32
    %scan3A_1 = arith.constant 250 : i32
    %scan3A_2 = arith.addi %scan3A, %scan3A_1 : i32
    %scan3A_3 = arith.constant 1 : i32
    scf.for %scan3A_122 = %scan3A to %scan3A_2 step %scan3A_3  : i32 {
      %broadcast_in_dim3A = arith.constant 0.000000e+00 : f32
      %broadcast_in_dim3A_123 = vector.broadcast %broadcast_in_dim3A : f32 to vector<16xf32>
      %swap3A = arith.index_cast %scan3A_122 : i32 to index
      %swap3A_124 = arith.constant 0 : index
      %swap3A_125 = tpu.vector_load %arg7[%swap3A, %swap3A_124] {strides = array<i32>} : memref<480x64xf32, #tpu.memory_space<vmem>>, vector<1x16xf32>,
      %swap3A_126 = vector.shape_cast %swap3A_125 : vector<1x16xf32> to vector<16xf32>
      %swap3A_127 = vector.shape_cast %broadcast_in_dim3A_123 : vector<16xf32> to vector<1x16xf32>
      tpu.vector_store %arg7[%swap3A, %swap3A_124], %swap3A_127 {strides = array<i32>} : memref<480x64xf32, #tpu.memory_space<vmem>>, vector<1x16xf32>,
      %broadcast_in_dim3A_128 = arith.constant 0.000000e+00 : f32
      %broadcast_in_dim3A_129 = vector.broadcast %broadcast_in_dim3A_128 : f32 to vector<16xf32>
      %swap3A_130 = arith.index_cast %scan3A_122 : i32 to index
      %swap3A_131 = arith.constant 16 : index
      %swap3A_132 = tpu.vector_load %arg7[%swap3A_130, %swap3A_131] {strides = array<i32>} : memref<480x64xf32, #tpu.memory_space<vmem>>, vector<1x16xf32>,
      %swap3A_133 = vector.shape_cast %swap3A_132 : vector<1x16xf32> to vector<16xf32>
      %swap3A_134 = vector.shape_cast %broadcast_in_dim3A_129 : vector<16xf32> to vector<1x16xf32>
      tpu.vector_store %arg7[%swap3A_130, %swap3A_131], %swap3A_134 {strides = array<i32>} : memref<480x64xf32, #tpu.memory_space<vmem>>, vector<1x16xf32>,
      %broadcast_in_dim3A_135 = arith.constant 0.000000e+00 : f32
      %broadcast_in_dim3A_136 = vector.broadcast %broadcast_in_dim3A_135 : f32 to vector<16xf32>
      %swap3A_137 = arith.index_cast %scan3A_122 : i32 to index
      %swap3A_138 = arith.constant 32 : index
      %swap3A_139 = tpu.vector_load %arg7[%swap3A_137, %swap3A_138] {strides = array<i32>} : memref<480x64xf32, #tpu.memory_space<vmem>>, vector<1x16xf32>,
      %swap3A_140 = vector.shape_cast %swap3A_139 : vector<1x16xf32> to vector<16xf32>
      %swap3A_141 = vector.shape_cast %broadcast_in_dim3A_136 : vector<16xf32> to vector<1x16xf32>
      tpu.vector_store %arg7[%swap3A_137, %swap3A_138], %swap3A_141 {strides = array<i32>} : memref<480x64xf32, #tpu.memory_space<vmem>>, vector<1x16xf32>,
      %broadcast_in_dim3A_142 = arith.constant 0.000000e+00 : f32
      %broadcast_in_dim3A_143 = vector.broadcast %broadcast_in_dim3A_142 : f32 to vector<16xf32>
      %swap3A_144 = arith.index_cast %scan3A_122 : i32 to index
      %swap3A_145 = arith.constant 48 : index
      %swap3A_146 = tpu.vector_load %arg7[%swap3A_144, %swap3A_145] {strides = array<i32>} : memref<480x64xf32, #tpu.memory_space<vmem>>, vector<1x16xf32>,
      %swap3A_147 = vector.shape_cast %swap3A_146 : vector<1x16xf32> to vector<16xf32>
      %swap3A_148 = vector.shape_cast %broadcast_in_dim3A_143 : vector<16xf32> to vector<1x16xf32>
      tpu.vector_store %arg7[%swap3A_144, %swap3A_145], %swap3A_148 {strides = array<i32>} : memref<480x64xf32, #tpu.memory_space<vmem>>, vector<1x16xf32>,
    }
    %scan3A_4 = arith.constant 250 : i32
    %lt3A = arith.constant 10 : i32
    %lt3A_5 = arith.cmpi slt, %arg1, %lt3A : i32
    %convert_element_type3A = arith.extui %lt3A_5 : i1 to i32
    %cond3A = arith.constant 0 : i32
    %cond3A_6 = arith.cmpi ne, %convert_element_type3A, %cond3A : i32
    scf.if %cond3A_6 {
      %mul3A_122 = arith.constant 1000 : i32
      %mul3A_123 = arith.muli %arg1, %mul3A_122 : i32
      %add3A = arith.constant 0 : i32
      %add3A_124 = arith.addi %mul3A_123, %add3A : i32
      "tpu.region"() ({
        %run_scoped3A_137 = tpu.sem_alloc : memref<!tpu.dma_semaphore, #tpu.memory_space<semaphore_mem>>
        %dma_start3A_138 = arith.constant 0 : i32
        %dma_start3A_139 = arith.constant 0 : i32
        %dma_start3A_140 = tpu.memref_slice %arg7[%dma_start3A_138, %dma_start3A_139] : memref<480x64xf32, #tpu.memory_space<vmem>> -> memref<250x64xf32, #tpu.memory_space<vmem>>
        %dma_start3A_141 = arith.constant 0 : i32
        %dma_start3A_142 = tpu.memref_slice %arg8[%add3A_124, %dma_start3A_141] : memref<10000x64xf32, #tpu.memory_space<vmem_shared>> -> memref<250x64xf32, #tpu.memory_space<vmem_shared>>
        %dma_start3A_143 = arith.constant 0 : i32
        %dma_start3A_144 = tpu.memref_slice %arg8[%add3A_124, %dma_start3A_143] : memref<10000x64xf32, #tpu.memory_space<vmem_shared>> -> memref<250x64xf32, #tpu.memory_space<vmem_shared>>
        %dma_start3A_145 = arith.constant 0 : i32
        %dma_start3A_146 = arith.constant 0 : i32
        %dma_start3A_147 = tpu.memref_slice %arg7[%dma_start3A_145, %dma_start3A_146] : memref<480x64xf32, #tpu.memory_space<vmem>> -> memref<250x64xf32, #tpu.memory_space<vmem>>
        tpu.enqueue_dma source(%dma_start3A_147 : memref<250x64xf32, #tpu.memory_space<vmem>>) target(%dma_start3A_144 : memref<250x64xf32, #tpu.memory_space<vmem_shared>>) target_semaphore(%run_scoped3A_137 : memref<!tpu.dma_semaphore, #tpu.memory_space<semaphore_mem>>)
        %dma_wait3A_148 = arith.constant 0 : i32
        %dma_wait3A_149 = arith.constant 0 : i32
        %dma_wait3A_150 = tpu.memref_slice %arg7[%dma_wait3A_148, %dma_wait3A_149] : memref<480x64xf32, #tpu.memory_space<vmem>> -> memref<250x64xf32, #tpu.memory_space<vmem>>
        %dma_wait3A_151 = arith.constant 0 : i32
        %dma_wait3A_152 = tpu.memref_slice %arg8[%add3A_124, %dma_wait3A_151] : memref<10000x64xf32, #tpu.memory_space<vmem_shared>> -> memref<250x64xf32, #tpu.memory_space<vmem_shared>>
        %dma_wait3A_153 = arith.constant 0 : i32
        %dma_wait3A_154 = tpu.memref_slice %arg8[%add3A_124, %dma_wait3A_153] : memref<10000x64xf32, #tpu.memory_space<vmem_shared>> -> memref<250x64xf32, #tpu.memory_space<vmem_shared>>
        %dma_wait3A_155 = arith.constant 0 : i32
        %dma_wait3A_156 = arith.constant 0 : i32
        %dma_wait3A_157 = tpu.memref_slice %arg7[%dma_wait3A_155, %dma_wait3A_156] : memref<480x64xf32, #tpu.memory_space<vmem>> -> memref<250x64xf32, #tpu.memory_space<vmem>>
        tpu.wait_dma2 semaphore(%run_scoped3A_137 : memref<!tpu.dma_semaphore, #tpu.memory_space<semaphore_mem>>) src(%dma_wait3A_157 : memref<250x64xf32, #tpu.memory_space<vmem>>) dst(%dma_wait3A_154 : memref<250x64xf32, #tpu.memory_space<vmem_shared>>)
        tpu.yield
      }) : () -> ()
      %mul3A_125 = arith.constant 1000 : i32
      %mul3A_126 = arith.muli %arg1, %mul3A_125 : i32
      %add3A_127 = arith.constant 250 : i32
      %add3A_128 = arith.addi %mul3A_126, %add3A_127 : i32
      "tpu.region"() ({
        %run_scoped3A_137 = tpu.sem_alloc : memref<!tpu.dma_semaphore, #tpu.memory_space<semaphore_mem>>
        %dma_start3A_138 = arith.constant 0 : i32
        %dma_start3A_139 = arith.constant 0 : i32
        %dma_start3A_140 = tpu.memref_slice %arg7[%dma_start3A_138, %dma_start3A_139] : memref<480x64xf32, #tpu.memory_space<vmem>> -> memref<250x64xf32, #tpu.memory_space<vmem>>
        %dma_start3A_141 = arith.constant 0 : i32
        %dma_start3A_142 = tpu.memref_slice %arg8[%add3A_128, %dma_start3A_141] : memref<10000x64xf32, #tpu.memory_space<vmem_shared>> -> memref<250x64xf32, #tpu.memory_space<vmem_shared>>
        %dma_start3A_143 = arith.constant 0 : i32
        %dma_start3A_144 = tpu.memref_slice %arg8[%add3A_128, %dma_start3A_143] : memref<10000x64xf32, #tpu.memory_space<vmem_shared>> -> memref<250x64xf32, #tpu.memory_space<vmem_shared>>
        %dma_start3A_145 = arith.constant 0 : i32
        %dma_start3A_146 = arith.constant 0 : i32
        %dma_start3A_147 = tpu.memref_slice %arg7[%dma_start3A_145, %dma_start3A_146] : memref<480x64xf32, #tpu.memory_space<vmem>> -> memref<250x64xf32, #tpu.memory_space<vmem>>
        tpu.enqueue_dma source(%dma_start3A_147 : memref<250x64xf32, #tpu.memory_space<vmem>>) target(%dma_start3A_144 : memref<250x64xf32, #tpu.memory_space<vmem_shared>>) target_semaphore(%run_scoped3A_137 : memref<!tpu.dma_semaphore, #tpu.memory_space<semaphore_mem>>)
        %dma_wait3A_148 = arith.constant 0 : i32
        %dma_wait3A_149 = arith.constant 0 : i32
        %dma_wait3A_150 = tpu.memref_slice %arg7[%dma_wait3A_148, %dma_wait3A_149] : memref<480x64xf32, #tpu.memory_space<vmem>> -> memref<250x64xf32, #tpu.memory_space<vmem>>
        %dma_wait3A_151 = arith.constant 0 : i32
        %dma_wait3A_152 = tpu.memref_slice %arg8[%add3A_128, %dma_wait3A_151] : memref<10000x64xf32, #tpu.memory_space<vmem_shared>> -> memref<250x64xf32, #tpu.memory_space<vmem_shared>>
        %dma_wait3A_153 = arith.constant 0 : i32
        %dma_wait3A_154 = tpu.memref_slice %arg8[%add3A_128, %dma_wait3A_153] : memref<10000x64xf32, #tpu.memory_space<vmem_shared>> -> memref<250x64xf32, #tpu.memory_space<vmem_shared>>
        %dma_wait3A_155 = arith.constant 0 : i32
        %dma_wait3A_156 = arith.constant 0 : i32
        %dma_wait3A_157 = tpu.memref_slice %arg7[%dma_wait3A_155, %dma_wait3A_156] : memref<480x64xf32, #tpu.memory_space<vmem>> -> memref<250x64xf32, #tpu.memory_space<vmem>>
        tpu.wait_dma2 semaphore(%run_scoped3A_137 : memref<!tpu.dma_semaphore, #tpu.memory_space<semaphore_mem>>) src(%dma_wait3A_157 : memref<250x64xf32, #tpu.memory_space<vmem>>) dst(%dma_wait3A_154 : memref<250x64xf32, #tpu.memory_space<vmem_shared>>)
        tpu.yield
      }) : () -> ()
      %mul3A_129 = arith.constant 1000 : i32
      %mul3A_130 = arith.muli %arg1, %mul3A_129 : i32
      %add3A_131 = arith.constant 500 : i32
      %add3A_132 = arith.addi %mul3A_130, %add3A_131 : i32
      "tpu.region"() ({
        %run_scoped3A_137 = tpu.sem_alloc : memref<!tpu.dma_semaphore, #tpu.memory_space<semaphore_mem>>
        %dma_start3A_138 = arith.constant 0 : i32
        %dma_start3A_139 = arith.constant 0 : i32
        %dma_start3A_140 = tpu.memref_slice %arg7[%dma_start3A_138, %dma_start3A_139] : memref<480x64xf32, #tpu.memory_space<vmem>> -> memref<250x64xf32, #tpu.memory_space<vmem>>
        %dma_start3A_141 = arith.constant 0 : i32
        %dma_start3A_142 = tpu.memref_slice %arg8[%add3A_132, %dma_start3A_141] : memref<10000x64xf32, #tpu.memory_space<vmem_shared>> -> memref<250x64xf32, #tpu.memory_space<vmem_shared>>
        %dma_start3A_143 = arith.constant 0 : i32
        %dma_start3A_144 = tpu.memref_slice %arg8[%add3A_132, %dma_start3A_143] : memref<10000x64xf32, #tpu.memory_space<vmem_shared>> -> memref<250x64xf32, #tpu.memory_space<vmem_shared>>
        %dma_start3A_145 = arith.constant 0 : i32
        %dma_start3A_146 = arith.constant 0 : i32
        %dma_start3A_147 = tpu.memref_slice %arg7[%dma_start3A_145, %dma_start3A_146] : memref<480x64xf32, #tpu.memory_space<vmem>> -> memref<250x64xf32, #tpu.memory_space<vmem>>
        tpu.enqueue_dma source(%dma_start3A_147 : memref<250x64xf32, #tpu.memory_space<vmem>>) target(%dma_start3A_144 : memref<250x64xf32, #tpu.memory_space<vmem_shared>>) target_semaphore(%run_scoped3A_137 : memref<!tpu.dma_semaphore, #tpu.memory_space<semaphore_mem>>)
        %dma_wait3A_148 = arith.constant 0 : i32
        %dma_wait3A_149 = arith.constant 0 : i32
        %dma_wait3A_150 = tpu.memref_slice %arg7[%dma_wait3A_148, %dma_wait3A_149] : memref<480x64xf32, #tpu.memory_space<vmem>> -> memref<250x64xf32, #tpu.memory_space<vmem>>
        %dma_wait3A_151 = arith.constant 0 : i32
        %dma_wait3A_152 = tpu.memref_slice %arg8[%add3A_132, %dma_wait3A_151] : memref<10000x64xf32, #tpu.memory_space<vmem_shared>> -> memref<250x64xf32, #tpu.memory_space<vmem_shared>>
        %dma_wait3A_153 = arith.constant 0 : i32
        %dma_wait3A_154 = tpu.memref_slice %arg8[%add3A_132, %dma_wait3A_153] : memref<10000x64xf32, #tpu.memory_space<vmem_shared>> -> memref<250x64xf32, #tpu.memory_space<vmem_shared>>
        %dma_wait3A_155 = arith.constant 0 : i32
        %dma_wait3A_156 = arith.constant 0 : i32
        %dma_wait3A_157 = tpu.memref_slice %arg7[%dma_wait3A_155, %dma_wait3A_156] : memref<480x64xf32, #tpu.memory_space<vmem>> -> memref<250x64xf32, #tpu.memory_space<vmem>>
        tpu.wait_dma2 semaphore(%run_scoped3A_137 : memref<!tpu.dma_semaphore, #tpu.memory_space<semaphore_mem>>) src(%dma_wait3A_157 : memref<250x64xf32, #tpu.memory_space<vmem>>) dst(%dma_wait3A_154 : memref<250x64xf32, #tpu.memory_space<vmem_shared>>)
        tpu.yield
      }) : () -> ()
      %mul3A_133 = arith.constant 1000 : i32
      %mul3A_134 = arith.muli %arg1, %mul3A_133 : i32
      %add3A_135 = arith.constant 750 : i32
      %add3A_136 = arith.addi %mul3A_134, %add3A_135 : i32
      "tpu.region"() ({
        %run_scoped3A_137 = tpu.sem_alloc : memref<!tpu.dma_semaphore, #tpu.memory_space<semaphore_mem>>
        %dma_start3A_138 = arith.constant 0 : i32
        %dma_start3A_139 = arith.constant 0 : i32
        %dma_start3A_140 = tpu.memref_slice %arg7[%dma_start3A_138, %dma_start3A_139] : memref<480x64xf32, #tpu.memory_space<vmem>> -> memref<250x64xf32, #tpu.memory_space<vmem>>
        %dma_start3A_141 = arith.constant 0 : i32
        %dma_start3A_142 = tpu.memref_slice %arg8[%add3A_136, %dma_start3A_141] : memref<10000x64xf32, #tpu.memory_space<vmem_shared>> -> memref<250x64xf32, #tpu.memory_space<vmem_shared>>
        %dma_start3A_143 = arith.constant 0 : i32
        %dma_start3A_144 = tpu.memref_slice %arg8[%add3A_136, %dma_start3A_143] : memref<10000x64xf32, #tpu.memory_space<vmem_shared>> -> memref<250x64xf32, #tpu.memory_space<vmem_shared>>
        %dma_start3A_145 = arith.constant 0 : i32
        %dma_start3A_146 = arith.constant 0 : i32
        %dma_start3A_147 = tpu.memref_slice %arg7[%dma_start3A_145, %dma_start3A_146] : memref<480x64xf32, #tpu.memory_space<vmem>> -> memref<250x64xf32, #tpu.memory_space<vmem>>
        tpu.enqueue_dma source(%dma_start3A_147 : memref<250x64xf32, #tpu.memory_space<vmem>>) target(%dma_start3A_144 : memref<250x64xf32, #tpu.memory_space<vmem_shared>>) target_semaphore(%run_scoped3A_137 : memref<!tpu.dma_semaphore, #tpu.memory_space<semaphore_mem>>)
        %dma_wait3A_148 = arith.constant 0 : i32
        %dma_wait3A_149 = arith.constant 0 : i32
        %dma_wait3A_150 = tpu.memref_slice %arg7[%dma_wait3A_148, %dma_wait3A_149] : memref<480x64xf32, #tpu.memory_space<vmem>> -> memref<250x64xf32, #tpu.memory_space<vmem>>
        %dma_wait3A_151 = arith.constant 0 : i32
        %dma_wait3A_152 = tpu.memref_slice %arg8[%add3A_136, %dma_wait3A_151] : memref<10000x64xf32, #tpu.memory_space<vmem_shared>> -> memref<250x64xf32, #tpu.memory_space<vmem_shared>>
        %dma_wait3A_153 = arith.constant 0 : i32
        %dma_wait3A_154 = tpu.memref_slice %arg8[%add3A_136, %dma_wait3A_153] : memref<10000x64xf32, #tpu.memory_space<vmem_shared>> -> memref<250x64xf32, #tpu.memory_space<vmem_shared>>
        %dma_wait3A_155 = arith.constant 0 : i32
        %dma_wait3A_156 = arith.constant 0 : i32
        %dma_wait3A_157 = tpu.memref_slice %arg7[%dma_wait3A_155, %dma_wait3A_156] : memref<480x64xf32, #tpu.memory_space<vmem>> -> memref<250x64xf32, #tpu.memory_space<vmem>>
        tpu.wait_dma2 semaphore(%run_scoped3A_137 : memref<!tpu.dma_semaphore, #tpu.memory_space<semaphore_mem>>) src(%dma_wait3A_157 : memref<250x64xf32, #tpu.memory_space<vmem>>) dst(%dma_wait3A_154 : memref<250x64xf32, #tpu.memory_space<vmem_shared>>)
        tpu.yield
      }) : () -> ()
    } else {
    }
    %barrier3A = arith.constant 0 : index
    tpu.barrier barrier_id(%barrier3A)
    %dma_start3A = arith.constant 0 : i32
    %dma_start3A_7 = arith.constant 0 : i32
    %dma_start3A_8 = arith.constant 0 : i32
    %dma_start3A_9 = arith.constant 0 : i32
    %dma_start3A_10 = tpu.memref_slice %arg7[%dma_start3A_8, %dma_start3A_9] : memref<480x64xf32, #tpu.memory_space<vmem>> -> memref<80x64xf32, #tpu.memory_space<vmem>>
    %dma_start3A_11 = arith.constant 0 : i32
    %dma_start3A_12 = tpu.memref_slice %arg5[%dma_start3A, %dma_start3A_11] : memref<250x80xi32, #tpu.memory_space<vmem>> -> memref<1x80xi32, #tpu.memory_space<vmem>>
    %dma_start3A_13 = tpu.memref_squeeze %dma_start3A_12 : memref<1x80xi32, #tpu.memory_space<vmem>> -> memref<80xi32, #tpu.memory_space<vmem>>
    %dma_start3A_14 = arith.constant 0 : i32
    %dma_start3A_15 = arith.constant 0 : i32
    %dma_start3A_16 = tpu.memref_slice %arg2[%arg0, %dma_start3A_14, %dma_start3A_15] : memref<2x10000x64xf32, #tpu.memory_space<hbm>> -> memref<1x10000x64xf32, #tpu.memory_space<hbm>>
    %dma_start3A_17 = tpu.memref_squeeze %dma_start3A_16 : memref<1x10000x64xf32, #tpu.memory_space<hbm>> -> memref<10000x64xf32, #tpu.memory_space<hbm>>
    %dma_start3A_18 = arith.constant 0 : i32
    %dma_start3A_19 = arith.constant 0 : i32
    %dma_start3A_20 = tpu.memref_slice %dma_start3A_17[%dma_start3A_18, %dma_start3A_19] : memref<10000x64xf32, #tpu.memory_space<hbm>> -> memref<10000x64xf32, #tpu.memory_space<hbm>>
    %dma_start3A_21 = tpu.memref_slice %arg9[%dma_start3A_7] : memref<6x!tpu.dma_semaphore, #tpu.memory_space<semaphore_mem>> -> memref<1x!tpu.dma_semaphore, #tpu.memory_space<semaphore_mem>>
    %dma_start3A_22 = tpu.memref_squeeze %dma_start3A_21 : memref<1x!tpu.dma_semaphore, #tpu.memory_space<semaphore_mem>> -> memref<!tpu.dma_semaphore, #tpu.memory_space<semaphore_mem>>
    tpu.enqueue_indirect_dma source(%dma_start3A_20 : memref<10000x64xf32, #tpu.memory_space<hbm>>) target(%dma_start3A_10 : memref<80x64xf32, #tpu.memory_space<vmem>>) offsets(%dma_start3A_13 : memref<80xi32, #tpu.memory_space<vmem>>) semaphore(%dma_start3A_22 : memref<!tpu.dma_semaphore, #tpu.memory_space<semaphore_mem>>)
    %dma_start3A_23 = arith.constant 1 : i32
    %dma_start3A_24 = arith.constant 1 : i32
    %dma_start3A_25 = arith.constant 80 : i32
    %dma_start3A_26 = arith.constant 0 : i32
    %dma_start3A_27 = tpu.memref_slice %arg7[%dma_start3A_25, %dma_start3A_26] : memref<480x64xf32, #tpu.memory_space<vmem>> -> memref<80x64xf32, #tpu.memory_space<vmem>>
    %dma_start3A_28 = arith.constant 0 : i32
    %dma_start3A_29 = tpu.memref_slice %arg5[%dma_start3A_23, %dma_start3A_28] : memref<250x80xi32, #tpu.memory_space<vmem>> -> memref<1x80xi32, #tpu.memory_space<vmem>>
    %dma_start3A_30 = tpu.memref_squeeze %dma_start3A_29 : memref<1x80xi32, #tpu.memory_space<vmem>> -> memref<80xi32, #tpu.memory_space<vmem>>
    %dma_start3A_31 = arith.constant 0 : i32
    %dma_start3A_32 = arith.constant 0 : i32
    %dma_start3A_33 = tpu.memref_slice %arg2[%arg0, %dma_start3A_31, %dma_start3A_32] : memref<2x10000x64xf32, #tpu.memory_space<hbm>> -> memref<1x10000x64xf32, #tpu.memory_space<hbm>>
    %dma_start3A_34 = tpu.memref_squeeze %dma_start3A_33 : memref<1x10000x64xf32, #tpu.memory_space<hbm>> -> memref<10000x64xf32, #tpu.memory_space<hbm>>
    %dma_start3A_35 = arith.constant 0 : i32
    %dma_start3A_36 = arith.constant 0 : i32
    %dma_start3A_37 = tpu.memref_slice %dma_start3A_34[%dma_start3A_35, %dma_start3A_36] : memref<10000x64xf32, #tpu.memory_space<hbm>> -> memref<10000x64xf32, #tpu.memory_space<hbm>>
    %dma_start3A_38 = tpu.memref_slice %arg9[%dma_start3A_24] : memref<6x!tpu.dma_semaphore, #tpu.memory_space<semaphore_mem>> -> memref<1x!tpu.dma_semaphore, #tpu.memory_space<semaphore_mem>>
    %dma_start3A_39 = tpu.memref_squeeze %dma_start3A_38 : memref<1x!tpu.dma_semaphore, #tpu.memory_space<semaphore_mem>> -> memref<!tpu.dma_semaphore, #tpu.memory_space<semaphore_mem>>
    tpu.enqueue_indirect_dma source(%dma_start3A_37 : memref<10000x64xf32, #tpu.memory_space<hbm>>) target(%dma_start3A_27 : memref<80x64xf32, #tpu.memory_space<vmem>>) offsets(%dma_start3A_30 : memref<80xi32, #tpu.memory_space<vmem>>) semaphore(%dma_start3A_39 : memref<!tpu.dma_semaphore, #tpu.memory_space<semaphore_mem>>)
    %dma_start3A_40 = arith.constant 2 : i32
    %dma_start3A_41 = arith.constant 2 : i32
    %dma_start3A_42 = arith.constant 160 : i32
    %dma_start3A_43 = arith.constant 0 : i32
    %dma_start3A_44 = tpu.memref_slice %arg7[%dma_start3A_42, %dma_start3A_43] : memref<480x64xf32, #tpu.memory_space<vmem>> -> memref<80x64xf32, #tpu.memory_space<vmem>>
    %dma_start3A_45 = arith.constant 0 : i32
    %dma_start3A_46 = tpu.memref_slice %arg5[%dma_start3A_40, %dma_start3A_45] : memref<250x80xi32, #tpu.memory_space<vmem>> -> memref<1x80xi32, #tpu.memory_space<vmem>>
    %dma_start3A_47 = tpu.memref_squeeze %dma_start3A_46 : memref<1x80xi32, #tpu.memory_space<vmem>> -> memref<80xi32, #tpu.memory_space<vmem>>
    %dma_start3A_48 = arith.constant 0 : i32
    %dma_start3A_49 = arith.constant 0 : i32
    %dma_start3A_50 = tpu.memref_slice %arg2[%arg0, %dma_start3A_48, %dma_start3A_49] : memref<2x10000x64xf32, #tpu.memory_space<hbm>> -> memref<1x10000x64xf32, #tpu.memory_space<hbm>>
    %dma_start3A_51 = tpu.memref_squeeze %dma_start3A_50 : memref<1x10000x64xf32, #tpu.memory_space<hbm>> -> memref<10000x64xf32, #tpu.memory_space<hbm>>
    %dma_start3A_52 = arith.constant 0 : i32
    %dma_start3A_53 = arith.constant 0 : i32
    %dma_start3A_54 = tpu.memref_slice %dma_start3A_51[%dma_start3A_52, %dma_start3A_53] : memref<10000x64xf32, #tpu.memory_space<hbm>> -> memref<10000x64xf32, #tpu.memory_space<hbm>>
    %dma_start3A_55 = tpu.memref_slice %arg9[%dma_start3A_41] : memref<6x!tpu.dma_semaphore, #tpu.memory_space<semaphore_mem>> -> memref<1x!tpu.dma_semaphore, #tpu.memory_space<semaphore_mem>>
    %dma_start3A_56 = tpu.memref_squeeze %dma_start3A_55 : memref<1x!tpu.dma_semaphore, #tpu.memory_space<semaphore_mem>> -> memref<!tpu.dma_semaphore, #tpu.memory_space<semaphore_mem>>
    tpu.enqueue_indirect_dma source(%dma_start3A_54 : memref<10000x64xf32, #tpu.memory_space<hbm>>) target(%dma_start3A_44 : memref<80x64xf32, #tpu.memory_space<vmem>>) offsets(%dma_start3A_47 : memref<80xi32, #tpu.memory_space<vmem>>) semaphore(%dma_start3A_56 : memref<!tpu.dma_semaphore, #tpu.memory_space<semaphore_mem>>)
    %scan3A_57 = arith.constant 0 : i32
    %scan3A_58 = arith.constant 250 : i32
    %scan3A_59 = arith.addi %scan3A_57, %scan3A_58 : i32
    %scan3A_60 = arith.constant 1 : i32
    scf.for %scan3A_122 = %scan3A_57 to %scan3A_59 step %scan3A_60  : i32 {
      %rem3A_123 = arith.constant 6 : i32
      %rem3A_124 = arith.remsi %scan3A_122, %rem3A_123 : i32
      %add3A = arith.constant 3 : i32
      %add3A_125 = arith.addi %scan3A_122, %add3A : i32
      %rem3A_126 = arith.constant 6 : i32
      %rem3A_127 = arith.remsi %add3A_125, %rem3A_126 : i32
      %ge3A = arith.constant 3 : i32
      %ge3A_128 = arith.cmpi sge, %scan3A_122, %ge3A : i32
      %convert_element_type3A_129 = arith.extui %ge3A_128 : i1 to i32
      %cond3A_130 = arith.constant 0 : i32
      %cond3A_131 = arith.cmpi ne, %convert_element_type3A_129, %cond3A_130 : i32
      scf.if %cond3A_131 {
        %mul3A_167 = arith.constant 80 : i32
        %mul3A_168 = arith.muli %rem3A_127, %mul3A_167 : i32
        %sub3A = arith.constant 3 : i32
        %sub3A_169 = arith.subi %scan3A_122, %sub3A : i32
        %dma_wait3A_170 = arith.constant 0 : i32
        %dma_wait3A_171 = tpu.memref_slice %arg7[%mul3A_168, %dma_wait3A_170] : memref<480x64xf32, #tpu.memory_space<vmem>> -> memref<80x64xf32, #tpu.memory_space<vmem>>
        %dma_wait3A_172 = arith.constant 0 : i32
        %dma_wait3A_173 = tpu.memref_slice %arg6[%sub3A_169, %dma_wait3A_172] : memref<250x80xi32, #tpu.memory_space<vmem>> -> memref<1x80xi32, #tpu.memory_space<vmem>>
        %dma_wait3A_174 = tpu.memref_squeeze %dma_wait3A_173 : memref<1x80xi32, #tpu.memory_space<vmem>> -> memref<80xi32, #tpu.memory_space<vmem>>
        %dma_wait3A_175 = arith.constant 0 : i32
        %dma_wait3A_176 = arith.constant 0 : i32
        %dma_wait3A_177 = tpu.memref_slice %arg8[%dma_wait3A_175, %dma_wait3A_176] : memref<10000x64xf32, #tpu.memory_space<vmem_shared>> -> memref<10000x64xf32, #tpu.memory_space<vmem_shared>>
        %dma_wait3A_178 = tpu.memref_slice %arg10[%rem3A_127] : memref<6x!tpu.dma_semaphore, #tpu.memory_space<semaphore_mem>> -> memref<1x!tpu.dma_semaphore, #tpu.memory_space<semaphore_mem>>
        %dma_wait3A_179 = tpu.memref_squeeze %dma_wait3A_178 : memref<1x!tpu.dma_semaphore, #tpu.memory_space<semaphore_mem>> -> memref<!tpu.dma_semaphore, #tpu.memory_space<semaphore_mem>>
        tpu.wait_indirect_dma semaphore(%dma_wait3A_179 : memref<!tpu.dma_semaphore, #tpu.memory_space<semaphore_mem>>) src(%dma_wait3A_171 : memref<80x64xf32, #tpu.memory_space<vmem>>) dst(%dma_wait3A_177 : memref<10000x64xf32, #tpu.memory_space<vmem_shared>>)
      } else {
      }
      %add3A_132 = arith.constant 3 : i32
      %add3A_133 = arith.addi %scan3A_122, %add3A_132 : i32
      %lt3A_134 = arith.constant 250 : i32
      %lt3A_135 = arith.cmpi slt, %add3A_133, %lt3A_134 : i32
      %convert_element_type3A_136 = arith.extui %lt3A_135 : i1 to i32
      %cond3A_137 = arith.constant 0 : i32
      %cond3A_138 = arith.cmpi ne, %convert_element_type3A_136, %cond3A_137 : i32
      scf.if %cond3A_138 {
        %add3A_167 = arith.constant 3 : i32
        %add3A_168 = arith.addi %scan3A_122, %add3A_167 : i32
        %mul3A_169 = arith.constant 80 : i32
        %mul3A_170 = arith.muli %rem3A_127, %mul3A_169 : i32
        %dma_start3A_171 = arith.constant 0 : i32
        %dma_start3A_172 = tpu.memref_slice %arg7[%mul3A_170, %dma_start3A_171] : memref<480x64xf32, #tpu.memory_space<vmem>> -> memref<80x64xf32, #tpu.memory_space<vmem>>
        %dma_start3A_173 = arith.constant 0 : i32
        %dma_start3A_174 = tpu.memref_slice %arg5[%add3A_168, %dma_start3A_173] : memref<250x80xi32, #tpu.memory_space<vmem>> -> memref<1x80xi32, #tpu.memory_space<vmem>>
        %dma_start3A_175 = tpu.memref_squeeze %dma_start3A_174 : memref<1x80xi32, #tpu.memory_space<vmem>> -> memref<80xi32, #tpu.memory_space<vmem>>
        %dma_start3A_176 = arith.constant 0 : i32
        %dma_start3A_177 = arith.constant 0 : i32
        %dma_start3A_178 = tpu.memref_slice %arg2[%arg0, %dma_start3A_176, %dma_start3A_177] : memref<2x10000x64xf32, #tpu.memory_space<hbm>> -> memref<1x10000x64xf32, #tpu.memory_space<hbm>>
        %dma_start3A_179 = tpu.memref_squeeze %dma_start3A_178 : memref<1x10000x64xf32, #tpu.memory_space<hbm>> -> memref<10000x64xf32, #tpu.memory_space<hbm>>
        %dma_start3A_180 = arith.constant 0 : i32
        %dma_start3A_181 = arith.constant 0 : i32
        %dma_start3A_182 = tpu.memref_slice %dma_start3A_179[%dma_start3A_180, %dma_start3A_181] : memref<10000x64xf32, #tpu.memory_space<hbm>> -> memref<10000x64xf32, #tpu.memory_space<hbm>>
        %dma_start3A_183 = tpu.memref_slice %arg9[%rem3A_127] : memref<6x!tpu.dma_semaphore, #tpu.memory_space<semaphore_mem>> -> memref<1x!tpu.dma_semaphore, #tpu.memory_space<semaphore_mem>>
        %dma_start3A_184 = tpu.memref_squeeze %dma_start3A_183 : memref<1x!tpu.dma_semaphore, #tpu.memory_space<semaphore_mem>> -> memref<!tpu.dma_semaphore, #tpu.memory_space<semaphore_mem>>
        tpu.enqueue_indirect_dma source(%dma_start3A_182 : memref<10000x64xf32, #tpu.memory_space<hbm>>) target(%dma_start3A_172 : memref<80x64xf32, #tpu.memory_space<vmem>>) offsets(%dma_start3A_175 : memref<80xi32, #tpu.memory_space<vmem>>) semaphore(%dma_start3A_184 : memref<!tpu.dma_semaphore, #tpu.memory_space<semaphore_mem>>)
      } else {
      }
      %mul3A_139 = arith.constant 80 : i32
      %mul3A_140 = arith.muli %rem3A_124, %mul3A_139 : i32
      %dma_wait3A_141 = arith.constant 0 : i32
      %dma_wait3A_142 = tpu.memref_slice %arg7[%mul3A_140, %dma_wait3A_141] : memref<480x64xf32, #tpu.memory_space<vmem>> -> memref<80x64xf32, #tpu.memory_space<vmem>>
      %dma_wait3A_143 = arith.constant 0 : i32
      %dma_wait3A_144 = tpu.memref_slice %arg5[%scan3A_122, %dma_wait3A_143] : memref<250x80xi32, #tpu.memory_space<vmem>> -> memref<1x80xi32, #tpu.memory_space<vmem>>
      %dma_wait3A_145 = tpu.memref_squeeze %dma_wait3A_144 : memref<1x80xi32, #tpu.memory_space<vmem>> -> memref<80xi32, #tpu.memory_space<vmem>>
      %dma_wait3A_146 = arith.constant 0 : i32
      %dma_wait3A_147 = arith.constant 0 : i32
      %dma_wait3A_148 = tpu.memref_slice %arg2[%arg0, %dma_wait3A_146, %dma_wait3A_147] : memref<2x10000x64xf32, #tpu.memory_space<hbm>> -> memref<1x10000x64xf32, #tpu.memory_space<hbm>>
      %dma_wait3A_149 = tpu.memref_squeeze %dma_wait3A_148 : memref<1x10000x64xf32, #tpu.memory_space<hbm>> -> memref<10000x64xf32, #tpu.memory_space<hbm>>
      %dma_wait3A_150 = arith.constant 0 : i32
      %dma_wait3A_151 = arith.constant 0 : i32
      %dma_wait3A_152 = tpu.memref_slice %dma_wait3A_149[%dma_wait3A_150, %dma_wait3A_151] : memref<10000x64xf32, #tpu.memory_space<hbm>> -> memref<10000x64xf32, #tpu.memory_space<hbm>>
      %dma_wait3A_153 = tpu.memref_slice %arg9[%rem3A_124] : memref<6x!tpu.dma_semaphore, #tpu.memory_space<semaphore_mem>> -> memref<1x!tpu.dma_semaphore, #tpu.memory_space<semaphore_mem>>
      %dma_wait3A_154 = tpu.memref_squeeze %dma_wait3A_153 : memref<1x!tpu.dma_semaphore, #tpu.memory_space<semaphore_mem>> -> memref<!tpu.dma_semaphore, #tpu.memory_space<semaphore_mem>>
      tpu.wait_indirect_dma semaphore(%dma_wait3A_154 : memref<!tpu.dma_semaphore, #tpu.memory_space<semaphore_mem>>) src(%dma_wait3A_152 : memref<10000x64xf32, #tpu.memory_space<hbm>>) dst(%dma_wait3A_142 : memref<80x64xf32, #tpu.memory_space<vmem>>)
      %mul3A_155 = arith.constant 80 : i32
      %mul3A_156 = arith.muli %rem3A_124, %mul3A_155 : i32
      %dma_start3A_157 = arith.constant 0 : i32
      %dma_start3A_158 = tpu.memref_slice %arg7[%mul3A_156, %dma_start3A_157] : memref<480x64xf32, #tpu.memory_space<vmem>> -> memref<80x64xf32, #tpu.memory_space<vmem>>
      %dma_start3A_159 = arith.constant 0 : i32
      %dma_start3A_160 = tpu.memref_slice %arg6[%scan3A_122, %dma_start3A_159] : memref<250x80xi32, #tpu.memory_space<vmem>> -> memref<1x80xi32, #tpu.memory_space<vmem>>
      %dma_start3A_161 = tpu.memref_squeeze %dma_start3A_160 : memref<1x80xi32, #tpu.memory_space<vmem>> -> memref<80xi32, #tpu.memory_space<vmem>>
      %dma_start3A_162 = arith.constant 0 : i32
      %dma_start3A_163 = arith.constant 0 : i32
      %dma_start3A_164 = tpu.memref_slice %arg8[%dma_start3A_162, %dma_start3A_163] : memref<10000x64xf32, #tpu.memory_space<vmem_shared>> -> memref<10000x64xf32, #tpu.memory_space<vmem_shared>>
      %dma_start3A_165 = tpu.memref_slice %arg10[%rem3A_124] : memref<6x!tpu.dma_semaphore, #tpu.memory_space<semaphore_mem>> -> memref<1x!tpu.dma_semaphore, #tpu.memory_space<semaphore_mem>>
      %dma_start3A_166 = tpu.memref_squeeze %dma_start3A_165 : memref<1x!tpu.dma_semaphore, #tpu.memory_space<semaphore_mem>> -> memref<!tpu.dma_semaphore, #tpu.memory_space<semaphore_mem>>
      tpu.enqueue_indirect_dma source(%dma_start3A_158 : memref<80x64xf32, #tpu.memory_space<vmem>>) target(%dma_start3A_164 : memref<10000x64xf32, #tpu.memory_space<vmem_shared>>) offsets(%dma_start3A_161 : memref<80xi32, #tpu.memory_space<vmem>>) semaphore(%dma_start3A_166 : memref<!tpu.dma_semaphore, #tpu.memory_space<semaphore_mem>>) {add = true}
    }
    %scan3A_61 = arith.constant 250 : i32
    %rem3A = arith.constant 247 : i32
    %rem3A_62 = arith.constant 6 : i32
    %rem3A_63 = arith.remsi %rem3A, %rem3A_62 : i32
    %mul3A = arith.constant 80 : i32
    %mul3A_64 = arith.muli %rem3A_63, %mul3A : i32
    %rem3A_65 = arith.constant 247 : i32
    %rem3A_66 = arith.constant 6 : i32
    %rem3A_67 = arith.remsi %rem3A_65, %rem3A_66 : i32
    %dma_wait3A = arith.constant 247 : i32
    %dma_wait3A_68 = arith.constant 0 : i32
    %dma_wait3A_69 = tpu.memref_slice %arg7[%mul3A_64, %dma_wait3A_68] : memref<480x64xf32, #tpu.memory_space<vmem>> -> memref<80x64xf32, #tpu.memory_space<vmem>>
    %dma_wait3A_70 = arith.constant 0 : i32
    %dma_wait3A_71 = tpu.memref_slice %arg6[%dma_wait3A, %dma_wait3A_70] : memref<250x80xi32, #tpu.memory_space<vmem>> -> memref<1x80xi32, #tpu.memory_space<vmem>>
    %dma_wait3A_72 = tpu.memref_squeeze %dma_wait3A_71 : memref<1x80xi32, #tpu.memory_space<vmem>> -> memref<80xi32, #tpu.memory_space<vmem>>
    %dma_wait3A_73 = arith.constant 0 : i32
    %dma_wait3A_74 = arith.constant 0 : i32
    %dma_wait3A_75 = tpu.memref_slice %arg8[%dma_wait3A_73, %dma_wait3A_74] : memref<10000x64xf32, #tpu.memory_space<vmem_shared>> -> memref<10000x64xf32, #tpu.memory_space<vmem_shared>>
    %dma_wait3A_76 = tpu.memref_slice %arg10[%rem3A_67] : memref<6x!tpu.dma_semaphore, #tpu.memory_space<semaphore_mem>> -> memref<1x!tpu.dma_semaphore, #tpu.memory_space<semaphore_mem>>
    %dma_wait3A_77 = tpu.memref_squeeze %dma_wait3A_76 : memref<1x!tpu.dma_semaphore, #tpu.memory_space<semaphore_mem>> -> memref<!tpu.dma_semaphore, #tpu.memory_space<semaphore_mem>>
    tpu.wait_indirect_dma semaphore(%dma_wait3A_77 : memref<!tpu.dma_semaphore, #tpu.memory_space<semaphore_mem>>) src(%dma_wait3A_69 : memref<80x64xf32, #tpu.memory_space<vmem>>) dst(%dma_wait3A_75 : memref<10000x64xf32, #tpu.memory_space<vmem_shared>>)
    %rem3A_78 = arith.constant 248 : i32
    %rem3A_79 = arith.constant 6 : i32
    %rem3A_80 = arith.remsi %rem3A_78, %rem3A_79 : i32
    %mul3A_81 = arith.constant 80 : i32
    %mul3A_82 = arith.muli %rem3A_80, %mul3A_81 : i32
    %rem3A_83 = arith.constant 248 : i32
    %rem3A_84 = arith.constant 6 : i32
    %rem3A_85 = arith.remsi %rem3A_83, %rem3A_84 : i32
    %dma_wait3A_86 = arith.constant 248 : i32
    %dma_wait3A_87 = arith.constant 0 : i32
    %dma_wait3A_88 = tpu.memref_slice %arg7[%mul3A_82, %dma_wait3A_87] : memref<480x64xf32, #tpu.memory_space<vmem>> -> memref<80x64xf32, #tpu.memory_space<vmem>>
    %dma_wait3A_89 = arith.constant 0 : i32
    %dma_wait3A_90 = tpu.memref_slice %arg6[%dma_wait3A_86, %dma_wait3A_89] : memref<250x80xi32, #tpu.memory_space<vmem>> -> memref<1x80xi32, #tpu.memory_space<vmem>>
    %dma_wait3A_91 = tpu.memref_squeeze %dma_wait3A_90 : memref<1x80xi32, #tpu.memory_space<vmem>> -> memref<80xi32, #tpu.memory_space<vmem>>
    %dma_wait3A_92 = arith.constant 0 : i32
    %dma_wait3A_93 = arith.constant 0 : i32
    %dma_wait3A_94 = tpu.memref_slice %arg8[%dma_wait3A_92, %dma_wait3A_93] : memref<10000x64xf32, #tpu.memory_space<vmem_shared>> -> memref<10000x64xf32, #tpu.memory_space<vmem_shared>>
    %dma_wait3A_95 = tpu.memref_slice %arg10[%rem3A_85] : memref<6x!tpu.dma_semaphore, #tpu.memory_space<semaphore_mem>> -> memref<1x!tpu.dma_semaphore, #tpu.memory_space<semaphore_mem>>
    %dma_wait3A_96 = tpu.memref_squeeze %dma_wait3A_95 : memref<1x!tpu.dma_semaphore, #tpu.memory_space<semaphore_mem>> -> memref<!tpu.dma_semaphore, #tpu.memory_space<semaphore_mem>>
    tpu.wait_indirect_dma semaphore(%dma_wait3A_96 : memref<!tpu.dma_semaphore, #tpu.memory_space<semaphore_mem>>) src(%dma_wait3A_88 : memref<80x64xf32, #tpu.memory_space<vmem>>) dst(%dma_wait3A_94 : memref<10000x64xf32, #tpu.memory_space<vmem_shared>>)
    %rem3A_97 = arith.constant 249 : i32
    %rem3A_98 = arith.constant 6 : i32
    %rem3A_99 = arith.remsi %rem3A_97, %rem3A_98 : i32
    %mul3A_100 = arith.constant 80 : i32
    %mul3A_101 = arith.muli %rem3A_99, %mul3A_100 : i32
    %rem3A_102 = arith.constant 249 : i32
    %rem3A_103 = arith.constant 6 : i32
    %rem3A_104 = arith.remsi %rem3A_102, %rem3A_103 : i32
    %dma_wait3A_105 = arith.constant 249 : i32
    %dma_wait3A_106 = arith.constant 0 : i32
    %dma_wait3A_107 = tpu.memref_slice %arg7[%mul3A_101, %dma_wait3A_106] : memref<480x64xf32, #tpu.memory_space<vmem>> -> memref<80x64xf32, #tpu.memory_space<vmem>>
    %dma_wait3A_108 = arith.constant 0 : i32
    %dma_wait3A_109 = tpu.memref_slice %arg6[%dma_wait3A_105, %dma_wait3A_108] : memref<250x80xi32, #tpu.memory_space<vmem>> -> memref<1x80xi32, #tpu.memory_space<vmem>>
    %dma_wait3A_110 = tpu.memref_squeeze %dma_wait3A_109 : memref<1x80xi32, #tpu.memory_space<vmem>> -> memref<80xi32, #tpu.memory_space<vmem>>
    %dma_wait3A_111 = arith.constant 0 : i32
    %dma_wait3A_112 = arith.constant 0 : i32
    %dma_wait3A_113 = tpu.memref_slice %arg8[%dma_wait3A_111, %dma_wait3A_112] : memref<10000x64xf32, #tpu.memory_space<vmem_shared>> -> memref<10000x64xf32, #tpu.memory_space<vmem_shared>>
    %dma_wait3A_114 = tpu.memref_slice %arg10[%rem3A_104] : memref<6x!tpu.dma_semaphore, #tpu.memory_space<semaphore_mem>> -> memref<1x!tpu.dma_semaphore, #tpu.memory_space<semaphore_mem>>
    %dma_wait3A_115 = tpu.memref_squeeze %dma_wait3A_114 : memref<1x!tpu.dma_semaphore, #tpu.memory_space<semaphore_mem>> -> memref<!tpu.dma_semaphore, #tpu.memory_space<semaphore_mem>>
    tpu.wait_indirect_dma semaphore(%dma_wait3A_115 : memref<!tpu.dma_semaphore, #tpu.memory_space<semaphore_mem>>) src(%dma_wait3A_107 : memref<80x64xf32, #tpu.memory_space<vmem>>) dst(%dma_wait3A_113 : memref<10000x64xf32, #tpu.memory_space<vmem_shared>>)
    %barrier3A_116 = arith.constant 0 : index
    tpu.barrier barrier_id(%barrier3A_116)
    %lt3A_117 = arith.constant 10 : i32
    %lt3A_118 = arith.cmpi slt, %arg1, %lt3A_117 : i32
    %convert_element_type3A_119 = arith.extui %lt3A_118 : i1 to i32
    %cond3A_120 = arith.constant 0 : i32
    %cond3A_121 = arith.cmpi ne, %convert_element_type3A_119, %cond3A_120 : i32
    scf.if %cond3A_121 {
      %mul3A_122 = arith.constant 1000 : i32
      %mul3A_123 = arith.muli %arg1, %mul3A_122 : i32
      %add3A = arith.constant 0 : i32
      %add3A_124 = arith.addi %mul3A_123, %add3A : i32
      "tpu.region"() ({
        %run_scoped3A_153 = tpu.sem_alloc : memref<!tpu.dma_semaphore, #tpu.memory_space<semaphore_mem>>
        %dma_start3A_154 = arith.constant 0 : i32
        %dma_start3A_155 = arith.constant 0 : i32
        %dma_start3A_156 = tpu.memref_slice %arg7[%dma_start3A_154, %dma_start3A_155] : memref<480x64xf32, #tpu.memory_space<vmem>> -> memref<250x64xf32, #tpu.memory_space<vmem>>
        %dma_start3A_157 = arith.constant 0 : i32
        %dma_start3A_158 = tpu.memref_slice %arg8[%add3A_124, %dma_start3A_157] : memref<10000x64xf32, #tpu.memory_space<vmem_shared>> -> memref<250x64xf32, #tpu.memory_space<vmem_shared>>
        %dma_start3A_159 = arith.constant 0 : i32
        %dma_start3A_160 = arith.constant 0 : i32
        %dma_start3A_161 = tpu.memref_slice %arg7[%dma_start3A_159, %dma_start3A_160] : memref<480x64xf32, #tpu.memory_space<vmem>> -> memref<250x64xf32, #tpu.memory_space<vmem>>
        %dma_start3A_162 = arith.constant 0 : i32
        %dma_start3A_163 = tpu.memref_slice %arg8[%add3A_124, %dma_start3A_162] : memref<10000x64xf32, #tpu.memory_space<vmem_shared>> -> memref<250x64xf32, #tpu.memory_space<vmem_shared>>
        tpu.enqueue_dma source(%dma_start3A_163 : memref<250x64xf32, #tpu.memory_space<vmem_shared>>) target(%dma_start3A_161 : memref<250x64xf32, #tpu.memory_space<vmem>>) target_semaphore(%run_scoped3A_153 : memref<!tpu.dma_semaphore, #tpu.memory_space<semaphore_mem>>)
        %dma_wait3A_164 = arith.constant 0 : i32
        %dma_wait3A_165 = arith.constant 0 : i32
        %dma_wait3A_166 = tpu.memref_slice %arg7[%dma_wait3A_164, %dma_wait3A_165] : memref<480x64xf32, #tpu.memory_space<vmem>> -> memref<250x64xf32, #tpu.memory_space<vmem>>
        %dma_wait3A_167 = arith.constant 0 : i32
        %dma_wait3A_168 = tpu.memref_slice %arg8[%add3A_124, %dma_wait3A_167] : memref<10000x64xf32, #tpu.memory_space<vmem_shared>> -> memref<250x64xf32, #tpu.memory_space<vmem_shared>>
        %dma_wait3A_169 = arith.constant 0 : i32
        %dma_wait3A_170 = arith.constant 0 : i32
        %dma_wait3A_171 = tpu.memref_slice %arg7[%dma_wait3A_169, %dma_wait3A_170] : memref<480x64xf32, #tpu.memory_space<vmem>> -> memref<250x64xf32, #tpu.memory_space<vmem>>
        %dma_wait3A_172 = arith.constant 0 : i32
        %dma_wait3A_173 = tpu.memref_slice %arg8[%add3A_124, %dma_wait3A_172] : memref<10000x64xf32, #tpu.memory_space<vmem_shared>> -> memref<250x64xf32, #tpu.memory_space<vmem_shared>>
        tpu.wait_dma2 semaphore(%run_scoped3A_153 : memref<!tpu.dma_semaphore, #tpu.memory_space<semaphore_mem>>) src(%dma_wait3A_173 : memref<250x64xf32, #tpu.memory_space<vmem_shared>>) dst(%dma_wait3A_171 : memref<250x64xf32, #tpu.memory_space<vmem>>)
        tpu.yield
      }) : () -> ()
      %mul3A_125 = arith.constant 1000 : i32
      %mul3A_126 = arith.muli %arg1, %mul3A_125 : i32
      %add3A_127 = arith.constant 0 : i32
      %add3A_128 = arith.addi %mul3A_126, %add3A_127 : i32
      "tpu.region"() ({
        %run_scoped3A_153 = tpu.sem_alloc : memref<!tpu.dma_semaphore, #tpu.memory_space<semaphore_mem>>
        %dma_start3A_154 = arith.constant 0 : i32
        %dma_start3A_155 = arith.constant 0 : i32
        %dma_start3A_156 = tpu.memref_slice %arg7[%dma_start3A_154, %dma_start3A_155] : memref<480x64xf32, #tpu.memory_space<vmem>> -> memref<250x64xf32, #tpu.memory_space<vmem>>
        %dma_start3A_157 = arith.constant 0 : i32
        %dma_start3A_158 = arith.constant 0 : i32
        %dma_start3A_159 = tpu.memref_slice %arg4[%arg0, %dma_start3A_157, %dma_start3A_158] : memref<2x10000x64xf32, #tpu.memory_space<hbm>> -> memref<1x10000x64xf32, #tpu.memory_space<hbm>>
        %dma_start3A_160 = tpu.memref_squeeze %dma_start3A_159 : memref<1x10000x64xf32, #tpu.memory_space<hbm>> -> memref<10000x64xf32, #tpu.memory_space<hbm>>
        %dma_start3A_161 = arith.constant 0 : i32
        %dma_start3A_162 = tpu.memref_slice %dma_start3A_160[%add3A_128, %dma_start3A_161] : memref<10000x64xf32, #tpu.memory_space<hbm>> -> memref<250x64xf32, #tpu.memory_space<hbm>>
        %dma_start3A_163 = arith.constant 0 : i32
        %dma_start3A_164 = arith.constant 0 : i32
        %dma_start3A_165 = tpu.memref_slice %arg4[%arg0, %dma_start3A_163, %dma_start3A_164] : memref<2x10000x64xf32, #tpu.memory_space<hbm>> -> memref<1x10000x64xf32, #tpu.memory_space<hbm>>
        %dma_start3A_166 = tpu.memref_squeeze %dma_start3A_165 : memref<1x10000x64xf32, #tpu.memory_space<hbm>> -> memref<10000x64xf32, #tpu.memory_space<hbm>>
        %dma_start3A_167 = arith.constant 0 : i32
        %dma_start3A_168 = tpu.memref_slice %dma_start3A_166[%add3A_128, %dma_start3A_167] : memref<10000x64xf32, #tpu.memory_space<hbm>> -> memref<250x64xf32, #tpu.memory_space<hbm>>
        %dma_start3A_169 = arith.constant 0 : i32
        %dma_start3A_170 = arith.constant 0 : i32
        %dma_start3A_171 = tpu.memref_slice %arg7[%dma_start3A_169, %dma_start3A_170] : memref<480x64xf32, #tpu.memory_space<vmem>> -> memref<250x64xf32, #tpu.memory_space<vmem>>
        tpu.enqueue_dma source(%dma_start3A_171 : memref<250x64xf32, #tpu.memory_space<vmem>>) target(%dma_start3A_168 : memref<250x64xf32, #tpu.memory_space<hbm>>) target_semaphore(%run_scoped3A_153 : memref<!tpu.dma_semaphore, #tpu.memory_space<semaphore_mem>>)
        %dma_wait3A_172 = arith.constant 0 : i32
        %dma_wait3A_173 = arith.constant 0 : i32
        %dma_wait3A_174 = tpu.memref_slice %arg7[%dma_wait3A_172, %dma_wait3A_173] : memref<480x64xf32, #tpu.memory_space<vmem>> -> memref<250x64xf32, #tpu.memory_space<vmem>>
        %dma_wait3A_175 = arith.constant 0 : i32
        %dma_wait3A_176 = arith.constant 0 : i32
        %dma_wait3A_177 = tpu.memref_slice %arg4[%arg0, %dma_wait3A_175, %dma_wait3A_176] : memref<2x10000x64xf32, #tpu.memory_space<hbm>> -> memref<1x10000x64xf32, #tpu.memory_space<hbm>>
        %dma_wait3A_178 = tpu.memref_squeeze %dma_wait3A_177 : memref<1x10000x64xf32, #tpu.memory_space<hbm>> -> memref<10000x64xf32, #tpu.memory_space<hbm>>
        %dma_wait3A_179 = arith.constant 0 : i32
        %dma_wait3A_180 = tpu.memref_slice %dma_wait3A_178[%add3A_128, %dma_wait3A_179] : memref<10000x64xf32, #tpu.memory_space<hbm>> -> memref<250x64xf32, #tpu.memory_space<hbm>>
        %dma_wait3A_181 = arith.constant 0 : i32
        %dma_wait3A_182 = arith.constant 0 : i32
        %dma_wait3A_183 = tpu.memref_slice %arg4[%arg0, %dma_wait3A_181, %dma_wait3A_182] : memref<2x10000x64xf32, #tpu.memory_space<hbm>> -> memref<1x10000x64xf32, #tpu.memory_space<hbm>>
        %dma_wait3A_184 = tpu.memref_squeeze %dma_wait3A_183 : memref<1x10000x64xf32, #tpu.memory_space<hbm>> -> memref<10000x64xf32, #tpu.memory_space<hbm>>
        %dma_wait3A_185 = arith.constant 0 : i32
        %dma_wait3A_186 = tpu.memref_slice %dma_wait3A_184[%add3A_128, %dma_wait3A_185] : memref<10000x64xf32, #tpu.memory_space<hbm>> -> memref<250x64xf32, #tpu.memory_space<hbm>>
        %dma_wait3A_187 = arith.constant 0 : i32
        %dma_wait3A_188 = arith.constant 0 : i32
        %dma_wait3A_189 = tpu.memref_slice %arg7[%dma_wait3A_187, %dma_wait3A_188] : memref<480x64xf32, #tpu.memory_space<vmem>> -> memref<250x64xf32, #tpu.memory_space<vmem>>
        tpu.wait_dma2 semaphore(%run_scoped3A_153 : memref<!tpu.dma_semaphore, #tpu.memory_space<semaphore_mem>>) src(%dma_wait3A_189 : memref<250x64xf32, #tpu.memory_space<vmem>>) dst(%dma_wait3A_186 : memref<250x64xf32, #tpu.memory_space<hbm>>)
        tpu.yield
      }) : () -> ()
      %mul3A_129 = arith.constant 1000 : i32
      %mul3A_130 = arith.muli %arg1, %mul3A_129 : i32
      %add3A_131 = arith.constant 250 : i32
      %add3A_132 = arith.addi %mul3A_130, %add3A_131 : i32
      "tpu.region"() ({
        %run_scoped3A_153 = tpu.sem_alloc : memref<!tpu.dma_semaphore, #tpu.memory_space<semaphore_mem>>
        %dma_start3A_154 = arith.constant 0 : i32
        %dma_start3A_155 = arith.constant 0 : i32
        %dma_start3A_156 = tpu.memref_slice %arg7[%dma_start3A_154, %dma_start3A_155] : memref<480x64xf32, #tpu.memory_space<vmem>> -> memref<250x64xf32, #tpu.memory_space<vmem>>
        %dma_start3A_157 = arith.constant 0 : i32
        %dma_start3A_158 = tpu.memref_slice %arg8[%add3A_132, %dma_start3A_157] : memref<10000x64xf32, #tpu.memory_space<vmem_shared>> -> memref<250x64xf32, #tpu.memory_space<vmem_shared>>
        %dma_start3A_159 = arith.constant 0 : i32
        %dma_start3A_160 = arith.constant 0 : i32
        %dma_start3A_161 = tpu.memref_slice %arg7[%dma_start3A_159, %dma_start3A_160] : memref<480x64xf32, #tpu.memory_space<vmem>> -> memref<250x64xf32, #tpu.memory_space<vmem>>
        %dma_start3A_162 = arith.constant 0 : i32
        %dma_start3A_163 = tpu.memref_slice %arg8[%add3A_132, %dma_start3A_162] : memref<10000x64xf32, #tpu.memory_space<vmem_shared>> -> memref<250x64xf32, #tpu.memory_space<vmem_shared>>
        tpu.enqueue_dma source(%dma_start3A_163 : memref<250x64xf32, #tpu.memory_space<vmem_shared>>) target(%dma_start3A_161 : memref<250x64xf32, #tpu.memory_space<vmem>>) target_semaphore(%run_scoped3A_153 : memref<!tpu.dma_semaphore, #tpu.memory_space<semaphore_mem>>)
        %dma_wait3A_164 = arith.constant 0 : i32
        %dma_wait3A_165 = arith.constant 0 : i32
        %dma_wait3A_166 = tpu.memref_slice %arg7[%dma_wait3A_164, %dma_wait3A_165] : memref<480x64xf32, #tpu.memory_space<vmem>> -> memref<250x64xf32, #tpu.memory_space<vmem>>
        %dma_wait3A_167 = arith.constant 0 : i32
        %dma_wait3A_168 = tpu.memref_slice %arg8[%add3A_132, %dma_wait3A_167] : memref<10000x64xf32, #tpu.memory_space<vmem_shared>> -> memref<250x64xf32, #tpu.memory_space<vmem_shared>>
        %dma_wait3A_169 = arith.constant 0 : i32
        %dma_wait3A_170 = arith.constant 0 : i32
        %dma_wait3A_171 = tpu.memref_slice %arg7[%dma_wait3A_169, %dma_wait3A_170] : memref<480x64xf32, #tpu.memory_space<vmem>> -> memref<250x64xf32, #tpu.memory_space<vmem>>
        %dma_wait3A_172 = arith.constant 0 : i32
        %dma_wait3A_173 = tpu.memref_slice %arg8[%add3A_132, %dma_wait3A_172] : memref<10000x64xf32, #tpu.memory_space<vmem_shared>> -> memref<250x64xf32, #tpu.memory_space<vmem_shared>>
        tpu.wait_dma2 semaphore(%run_scoped3A_153 : memref<!tpu.dma_semaphore, #tpu.memory_space<semaphore_mem>>) src(%dma_wait3A_173 : memref<250x64xf32, #tpu.memory_space<vmem_shared>>) dst(%dma_wait3A_171 : memref<250x64xf32, #tpu.memory_space<vmem>>)
        tpu.yield
      }) : () -> ()
      %mul3A_133 = arith.constant 1000 : i32
      %mul3A_134 = arith.muli %arg1, %mul3A_133 : i32
      %add3A_135 = arith.constant 250 : i32
      %add3A_136 = arith.addi %mul3A_134, %add3A_135 : i32
      "tpu.region"() ({
        %run_scoped3A_153 = tpu.sem_alloc : memref<!tpu.dma_semaphore, #tpu.memory_space<semaphore_mem>>
        %dma_start3A_154 = arith.constant 0 : i32
        %dma_start3A_155 = arith.constant 0 : i32
        %dma_start3A_156 = tpu.memref_slice %arg7[%dma_start3A_154, %dma_start3A_155] : memref<480x64xf32, #tpu.memory_space<vmem>> -> memref<250x64xf32, #tpu.memory_space<vmem>>
        %dma_start3A_157 = arith.constant 0 : i32
        %dma_start3A_158 = arith.constant 0 : i32
        %dma_start3A_159 = tpu.memref_slice %arg4[%arg0, %dma_start3A_157, %dma_start3A_158] : memref<2x10000x64xf32, #tpu.memory_space<hbm>> -> memref<1x10000x64xf32, #tpu.memory_space<hbm>>
        %dma_start3A_160 = tpu.memref_squeeze %dma_start3A_159 : memref<1x10000x64xf32, #tpu.memory_space<hbm>> -> memref<10000x64xf32, #tpu.memory_space<hbm>>
        %dma_start3A_161 = arith.constant 0 : i32
        %dma_start3A_162 = tpu.memref_slice %dma_start3A_160[%add3A_136, %dma_start3A_161] : memref<10000x64xf32, #tpu.memory_space<hbm>> -> memref<250x64xf32, #tpu.memory_space<hbm>>
        %dma_start3A_163 = arith.constant 0 : i32
        %dma_start3A_164 = arith.constant 0 : i32
        %dma_start3A_165 = tpu.memref_slice %arg4[%arg0, %dma_start3A_163, %dma_start3A_164] : memref<2x10000x64xf32, #tpu.memory_space<hbm>> -> memref<1x10000x64xf32, #tpu.memory_space<hbm>>
        %dma_start3A_166 = tpu.memref_squeeze %dma_start3A_165 : memref<1x10000x64xf32, #tpu.memory_space<hbm>> -> memref<10000x64xf32, #tpu.memory_space<hbm>>
        %dma_start3A_167 = arith.constant 0 : i32
        %dma_start3A_168 = tpu.memref_slice %dma_start3A_166[%add3A_136, %dma_start3A_167] : memref<10000x64xf32, #tpu.memory_space<hbm>> -> memref<250x64xf32, #tpu.memory_space<hbm>>
        %dma_start3A_169 = arith.constant 0 : i32
        %dma_start3A_170 = arith.constant 0 : i32
        %dma_start3A_171 = tpu.memref_slice %arg7[%dma_start3A_169, %dma_start3A_170] : memref<480x64xf32, #tpu.memory_space<vmem>> -> memref<250x64xf32, #tpu.memory_space<vmem>>
        tpu.enqueue_dma source(%dma_start3A_171 : memref<250x64xf32, #tpu.memory_space<vmem>>) target(%dma_start3A_168 : memref<250x64xf32, #tpu.memory_space<hbm>>) target_semaphore(%run_scoped3A_153 : memref<!tpu.dma_semaphore, #tpu.memory_space<semaphore_mem>>)
        %dma_wait3A_172 = arith.constant 0 : i32
        %dma_wait3A_173 = arith.constant 0 : i32
        %dma_wait3A_174 = tpu.memref_slice %arg7[%dma_wait3A_172, %dma_wait3A_173] : memref<480x64xf32, #tpu.memory_space<vmem>> -> memref<250x64xf32, #tpu.memory_space<vmem>>
        %dma_wait3A_175 = arith.constant 0 : i32
        %dma_wait3A_176 = arith.constant 0 : i32
        %dma_wait3A_177 = tpu.memref_slice %arg4[%arg0, %dma_wait3A_175, %dma_wait3A_176] : memref<2x10000x64xf32, #tpu.memory_space<hbm>> -> memref<1x10000x64xf32, #tpu.memory_space<hbm>>
        %dma_wait3A_178 = tpu.memref_squeeze %dma_wait3A_177 : memref<1x10000x64xf32, #tpu.memory_space<hbm>> -> memref<10000x64xf32, #tpu.memory_space<hbm>>
        %dma_wait3A_179 = arith.constant 0 : i32
        %dma_wait3A_180 = tpu.memref_slice %dma_wait3A_178[%add3A_136, %dma_wait3A_179] : memref<10000x64xf32, #tpu.memory_space<hbm>> -> memref<250x64xf32, #tpu.memory_space<hbm>>
        %dma_wait3A_181 = arith.constant 0 : i32
        %dma_wait3A_182 = arith.constant 0 : i32
        %dma_wait3A_183 = tpu.memref_slice %arg4[%arg0, %dma_wait3A_181, %dma_wait3A_182] : memref<2x10000x64xf32, #tpu.memory_space<hbm>> -> memref<1x10000x64xf32, #tpu.memory_space<hbm>>
        %dma_wait3A_184 = tpu.memref_squeeze %dma_wait3A_183 : memref<1x10000x64xf32, #tpu.memory_space<hbm>> -> memref<10000x64xf32, #tpu.memory_space<hbm>>
        %dma_wait3A_185 = arith.constant 0 : i32
        %dma_wait3A_186 = tpu.memref_slice %dma_wait3A_184[%add3A_136, %dma_wait3A_185] : memref<10000x64xf32, #tpu.memory_space<hbm>> -> memref<250x64xf32, #tpu.memory_space<hbm>>
        %dma_wait3A_187 = arith.constant 0 : i32
        %dma_wait3A_188 = arith.constant 0 : i32
        %dma_wait3A_189 = tpu.memref_slice %arg7[%dma_wait3A_187, %dma_wait3A_188] : memref<480x64xf32, #tpu.memory_space<vmem>> -> memref<250x64xf32, #tpu.memory_space<vmem>>
        tpu.wait_dma2 semaphore(%run_scoped3A_153 : memref<!tpu.dma_semaphore, #tpu.memory_space<semaphore_mem>>) src(%dma_wait3A_189 : memref<250x64xf32, #tpu.memory_space<vmem>>) dst(%dma_wait3A_186 : memref<250x64xf32, #tpu.memory_space<hbm>>)
        tpu.yield
      }) : () -> ()
      %mul3A_137 = arith.constant 1000 : i32
      %mul3A_138 = arith.muli %arg1, %mul3A_137 : i32
      %add3A_139 = arith.constant 500 : i32
      %add3A_140 = arith.addi %mul3A_138, %add3A_139 : i32
      "tpu.region"() ({
        %run_scoped3A_153 = tpu.sem_alloc : memref<!tpu.dma_semaphore, #tpu.memory_space<semaphore_mem>>
        %dma_start3A_154 = arith.constant 0 : i32
        %dma_start3A_155 = arith.constant 0 : i32
        %dma_start3A_156 = tpu.memref_slice %arg7[%dma_start3A_154, %dma_start3A_155] : memref<480x64xf32, #tpu.memory_space<vmem>> -> memref<250x64xf32, #tpu.memory_space<vmem>>
        %dma_start3A_157 = arith.constant 0 : i32
        %dma_start3A_158 = tpu.memref_slice %arg8[%add3A_140, %dma_start3A_157] : memref<10000x64xf32, #tpu.memory_space<vmem_shared>> -> memref<250x64xf32, #tpu.memory_space<vmem_shared>>
        %dma_start3A_159 = arith.constant 0 : i32
        %dma_start3A_160 = arith.constant 0 : i32
        %dma_start3A_161 = tpu.memref_slice %arg7[%dma_start3A_159, %dma_start3A_160] : memref<480x64xf32, #tpu.memory_space<vmem>> -> memref<250x64xf32, #tpu.memory_space<vmem>>
        %dma_start3A_162 = arith.constant 0 : i32
        %dma_start3A_163 = tpu.memref_slice %arg8[%add3A_140, %dma_start3A_162] : memref<10000x64xf32, #tpu.memory_space<vmem_shared>> -> memref<250x64xf32, #tpu.memory_space<vmem_shared>>
        tpu.enqueue_dma source(%dma_start3A_163 : memref<250x64xf32, #tpu.memory_space<vmem_shared>>) target(%dma_start3A_161 : memref<250x64xf32, #tpu.memory_space<vmem>>) target_semaphore(%run_scoped3A_153 : memref<!tpu.dma_semaphore, #tpu.memory_space<semaphore_mem>>)
        %dma_wait3A_164 = arith.constant 0 : i32
        %dma_wait3A_165 = arith.constant 0 : i32
        %dma_wait3A_166 = tpu.memref_slice %arg7[%dma_wait3A_164, %dma_wait3A_165] : memref<480x64xf32, #tpu.memory_space<vmem>> -> memref<250x64xf32, #tpu.memory_space<vmem>>
        %dma_wait3A_167 = arith.constant 0 : i32
        %dma_wait3A_168 = tpu.memref_slice %arg8[%add3A_140, %dma_wait3A_167] : memref<10000x64xf32, #tpu.memory_space<vmem_shared>> -> memref<250x64xf32, #tpu.memory_space<vmem_shared>>
        %dma_wait3A_169 = arith.constant 0 : i32
        %dma_wait3A_170 = arith.constant 0 : i32
        %dma_wait3A_171 = tpu.memref_slice %arg7[%dma_wait3A_169, %dma_wait3A_170] : memref<480x64xf32, #tpu.memory_space<vmem>> -> memref<250x64xf32, #tpu.memory_space<vmem>>
        %dma_wait3A_172 = arith.constant 0 : i32
        %dma_wait3A_173 = tpu.memref_slice %arg8[%add3A_140, %dma_wait3A_172] : memref<10000x64xf32, #tpu.memory_space<vmem_shared>> -> memref<250x64xf32, #tpu.memory_space<vmem_shared>>
        tpu.wait_dma2 semaphore(%run_scoped3A_153 : memref<!tpu.dma_semaphore, #tpu.memory_space<semaphore_mem>>) src(%dma_wait3A_173 : memref<250x64xf32, #tpu.memory_space<vmem_shared>>) dst(%dma_wait3A_171 : memref<250x64xf32, #tpu.memory_space<vmem>>)
        tpu.yield
      }) : () -> ()
      %mul3A_141 = arith.constant 1000 : i32
      %mul3A_142 = arith.muli %arg1, %mul3A_141 : i32
      %add3A_143 = arith.constant 500 : i32
      %add3A_144 = arith.addi %mul3A_142, %add3A_143 : i32
      "tpu.region"() ({
        %run_scoped3A_153 = tpu.sem_alloc : memref<!tpu.dma_semaphore, #tpu.memory_space<semaphore_mem>>
        %dma_start3A_154 = arith.constant 0 : i32
        %dma_start3A_155 = arith.constant 0 : i32
        %dma_start3A_156 = tpu.memref_slice %arg7[%dma_start3A_154, %dma_start3A_155] : memref<480x64xf32, #tpu.memory_space<vmem>> -> memref<250x64xf32, #tpu.memory_space<vmem>>
        %dma_start3A_157 = arith.constant 0 : i32
        %dma_start3A_158 = arith.constant 0 : i32
        %dma_start3A_159 = tpu.memref_slice %arg4[%arg0, %dma_start3A_157, %dma_start3A_158] : memref<2x10000x64xf32, #tpu.memory_space<hbm>> -> memref<1x10000x64xf32, #tpu.memory_space<hbm>>
        %dma_start3A_160 = tpu.memref_squeeze %dma_start3A_159 : memref<1x10000x64xf32, #tpu.memory_space<hbm>> -> memref<10000x64xf32, #tpu.memory_space<hbm>>
        %dma_start3A_161 = arith.constant 0 : i32
        %dma_start3A_162 = tpu.memref_slice %dma_start3A_160[%add3A_144, %dma_start3A_161] : memref<10000x64xf32, #tpu.memory_space<hbm>> -> memref<250x64xf32, #tpu.memory_space<hbm>>
        %dma_start3A_163 = arith.constant 0 : i32
        %dma_start3A_164 = arith.constant 0 : i32
        %dma_start3A_165 = tpu.memref_slice %arg4[%arg0, %dma_start3A_163, %dma_start3A_164] : memref<2x10000x64xf32, #tpu.memory_space<hbm>> -> memref<1x10000x64xf32, #tpu.memory_space<hbm>>
        %dma_start3A_166 = tpu.memref_squeeze %dma_start3A_165 : memref<1x10000x64xf32, #tpu.memory_space<hbm>> -> memref<10000x64xf32, #tpu.memory_space<hbm>>
        %dma_start3A_167 = arith.constant 0 : i32
        %dma_start3A_168 = tpu.memref_slice %dma_start3A_166[%add3A_144, %dma_start3A_167] : memref<10000x64xf32, #tpu.memory_space<hbm>> -> memref<250x64xf32, #tpu.memory_space<hbm>>
        %dma_start3A_169 = arith.constant 0 : i32
        %dma_start3A_170 = arith.constant 0 : i32
        %dma_start3A_171 = tpu.memref_slice %arg7[%dma_start3A_169, %dma_start3A_170] : memref<480x64xf32, #tpu.memory_space<vmem>> -> memref<250x64xf32, #tpu.memory_space<vmem>>
        tpu.enqueue_dma source(%dma_start3A_171 : memref<250x64xf32, #tpu.memory_space<vmem>>) target(%dma_start3A_168 : memref<250x64xf32, #tpu.memory_space<hbm>>) target_semaphore(%run_scoped3A_153 : memref<!tpu.dma_semaphore, #tpu.memory_space<semaphore_mem>>)
        %dma_wait3A_172 = arith.constant 0 : i32
        %dma_wait3A_173 = arith.constant 0 : i32
        %dma_wait3A_174 = tpu.memref_slice %arg7[%dma_wait3A_172, %dma_wait3A_173] : memref<480x64xf32, #tpu.memory_space<vmem>> -> memref<250x64xf32, #tpu.memory_space<vmem>>
        %dma_wait3A_175 = arith.constant 0 : i32
        %dma_wait3A_176 = arith.constant 0 : i32
        %dma_wait3A_177 = tpu.memref_slice %arg4[%arg0, %dma_wait3A_175, %dma_wait3A_176] : memref<2x10000x64xf32, #tpu.memory_space<hbm>> -> memref<1x10000x64xf32, #tpu.memory_space<hbm>>
        %dma_wait3A_178 = tpu.memref_squeeze %dma_wait3A_177 : memref<1x10000x64xf32, #tpu.memory_space<hbm>> -> memref<10000x64xf32, #tpu.memory_space<hbm>>
        %dma_wait3A_179 = arith.constant 0 : i32
        %dma_wait3A_180 = tpu.memref_slice %dma_wait3A_178[%add3A_144, %dma_wait3A_179] : memref<10000x64xf32, #tpu.memory_space<hbm>> -> memref<250x64xf32, #tpu.memory_space<hbm>>
        %dma_wait3A_181 = arith.constant 0 : i32
        %dma_wait3A_182 = arith.constant 0 : i32
        %dma_wait3A_183 = tpu.memref_slice %arg4[%arg0, %dma_wait3A_181, %dma_wait3A_182] : memref<2x10000x64xf32, #tpu.memory_space<hbm>> -> memref<1x10000x64xf32, #tpu.memory_space<hbm>>
        %dma_wait3A_184 = tpu.memref_squeeze %dma_wait3A_183 : memref<1x10000x64xf32, #tpu.memory_space<hbm>> -> memref<10000x64xf32, #tpu.memory_space<hbm>>
        %dma_wait3A_185 = arith.constant 0 : i32
        %dma_wait3A_186 = tpu.memref_slice %dma_wait3A_184[%add3A_144, %dma_wait3A_185] : memref<10000x64xf32, #tpu.memory_space<hbm>> -> memref<250x64xf32, #tpu.memory_space<hbm>>
        %dma_wait3A_187 = arith.constant 0 : i32
        %dma_wait3A_188 = arith.constant 0 : i32
        %dma_wait3A_189 = tpu.memref_slice %arg7[%dma_wait3A_187, %dma_wait3A_188] : memref<480x64xf32, #tpu.memory_space<vmem>> -> memref<250x64xf32, #tpu.memory_space<vmem>>
        tpu.wait_dma2 semaphore(%run_scoped3A_153 : memref<!tpu.dma_semaphore, #tpu.memory_space<semaphore_mem>>) src(%dma_wait3A_189 : memref<250x64xf32, #tpu.memory_space<vmem>>) dst(%dma_wait3A_186 : memref<250x64xf32, #tpu.memory_space<hbm>>)
        tpu.yield
      }) : () -> ()
      %mul3A_145 = arith.constant 1000 : i32
      %mul3A_146 = arith.muli %arg1, %mul3A_145 : i32
      %add3A_147 = arith.constant 750 : i32
      %add3A_148 = arith.addi %mul3A_146, %add3A_147 : i32
      "tpu.region"() ({
        %run_scoped3A_153 = tpu.sem_alloc : memref<!tpu.dma_semaphore, #tpu.memory_space<semaphore_mem>>
        %dma_start3A_154 = arith.constant 0 : i32
        %dma_start3A_155 = arith.constant 0 : i32
        %dma_start3A_156 = tpu.memref_slice %arg7[%dma_start3A_154, %dma_start3A_155] : memref<480x64xf32, #tpu.memory_space<vmem>> -> memref<250x64xf32, #tpu.memory_space<vmem>>
        %dma_start3A_157 = arith.constant 0 : i32
        %dma_start3A_158 = tpu.memref_slice %arg8[%add3A_148, %dma_start3A_157] : memref<10000x64xf32, #tpu.memory_space<vmem_shared>> -> memref<250x64xf32, #tpu.memory_space<vmem_shared>>
        %dma_start3A_159 = arith.constant 0 : i32
        %dma_start3A_160 = arith.constant 0 : i32
        %dma_start3A_161 = tpu.memref_slice %arg7[%dma_start3A_159, %dma_start3A_160] : memref<480x64xf32, #tpu.memory_space<vmem>> -> memref<250x64xf32, #tpu.memory_space<vmem>>
        %dma_start3A_162 = arith.constant 0 : i32
        %dma_start3A_163 = tpu.memref_slice %arg8[%add3A_148, %dma_start3A_162] : memref<10000x64xf32, #tpu.memory_space<vmem_shared>> -> memref<250x64xf32, #tpu.memory_space<vmem_shared>>
        tpu.enqueue_dma source(%dma_start3A_163 : memref<250x64xf32, #tpu.memory_space<vmem_shared>>) target(%dma_start3A_161 : memref<250x64xf32, #tpu.memory_space<vmem>>) target_semaphore(%run_scoped3A_153 : memref<!tpu.dma_semaphore, #tpu.memory_space<semaphore_mem>>)
        %dma_wait3A_164 = arith.constant 0 : i32
        %dma_wait3A_165 = arith.constant 0 : i32
        %dma_wait3A_166 = tpu.memref_slice %arg7[%dma_wait3A_164, %dma_wait3A_165] : memref<480x64xf32, #tpu.memory_space<vmem>> -> memref<250x64xf32, #tpu.memory_space<vmem>>
        %dma_wait3A_167 = arith.constant 0 : i32
        %dma_wait3A_168 = tpu.memref_slice %arg8[%add3A_148, %dma_wait3A_167] : memref<10000x64xf32, #tpu.memory_space<vmem_shared>> -> memref<250x64xf32, #tpu.memory_space<vmem_shared>>
        %dma_wait3A_169 = arith.constant 0 : i32
        %dma_wait3A_170 = arith.constant 0 : i32
        %dma_wait3A_171 = tpu.memref_slice %arg7[%dma_wait3A_169, %dma_wait3A_170] : memref<480x64xf32, #tpu.memory_space<vmem>> -> memref<250x64xf32, #tpu.memory_space<vmem>>
        %dma_wait3A_172 = arith.constant 0 : i32
        %dma_wait3A_173 = tpu.memref_slice %arg8[%add3A_148, %dma_wait3A_172] : memref<10000x64xf32, #tpu.memory_space<vmem_shared>> -> memref<250x64xf32, #tpu.memory_space<vmem_shared>>
        tpu.wait_dma2 semaphore(%run_scoped3A_153 : memref<!tpu.dma_semaphore, #tpu.memory_space<semaphore_mem>>) src(%dma_wait3A_173 : memref<250x64xf32, #tpu.memory_space<vmem_shared>>) dst(%dma_wait3A_171 : memref<250x64xf32, #tpu.memory_space<vmem>>)
        tpu.yield
      }) : () -> ()
      %mul3A_149 = arith.constant 1000 : i32
      %mul3A_150 = arith.muli %arg1, %mul3A_149 : i32
      %add3A_151 = arith.constant 750 : i32
      %add3A_152 = arith.addi %mul3A_150, %add3A_151 : i32
      "tpu.region"() ({
        %run_scoped3A_153 = tpu.sem_alloc : memref<!tpu.dma_semaphore, #tpu.memory_space<semaphore_mem>>
        %dma_start3A_154 = arith.constant 0 : i32
        %dma_start3A_155 = arith.constant 0 : i32
        %dma_start3A_156 = tpu.memref_slice %arg7[%dma_start3A_154, %dma_start3A_155] : memref<480x64xf32, #tpu.memory_space<vmem>> -> memref<250x64xf32, #tpu.memory_space<vmem>>
        %dma_start3A_157 = arith.constant 0 : i32
        %dma_start3A_158 = arith.constant 0 : i32
        %dma_start3A_159 = tpu.memref_slice %arg4[%arg0, %dma_start3A_157, %dma_start3A_158] : memref<2x10000x64xf32, #tpu.memory_space<hbm>> -> memref<1x10000x64xf32, #tpu.memory_space<hbm>>
        %dma_start3A_160 = tpu.memref_squeeze %dma_start3A_159 : memref<1x10000x64xf32, #tpu.memory_space<hbm>> -> memref<10000x64xf32, #tpu.memory_space<hbm>>
        %dma_start3A_161 = arith.constant 0 : i32
        %dma_start3A_162 = tpu.memref_slice %dma_start3A_160[%add3A_152, %dma_start3A_161] : memref<10000x64xf32, #tpu.memory_space<hbm>> -> memref<250x64xf32, #tpu.memory_space<hbm>>
        %dma_start3A_163 = arith.constant 0 : i32
        %dma_start3A_164 = arith.constant 0 : i32
        %dma_start3A_165 = tpu.memref_slice %arg4[%arg0, %dma_start3A_163, %dma_start3A_164] : memref<2x10000x64xf32, #tpu.memory_space<hbm>> -> memref<1x10000x64xf32, #tpu.memory_space<hbm>>
        %dma_start3A_166 = tpu.memref_squeeze %dma_start3A_165 : memref<1x10000x64xf32, #tpu.memory_space<hbm>> -> memref<10000x64xf32, #tpu.memory_space<hbm>>
        %dma_start3A_167 = arith.constant 0 : i32
        %dma_start3A_168 = tpu.memref_slice %dma_start3A_166[%add3A_152, %dma_start3A_167] : memref<10000x64xf32, #tpu.memory_space<hbm>> -> memref<250x64xf32, #tpu.memory_space<hbm>>
        %dma_start3A_169 = arith.constant 0 : i32
        %dma_start3A_170 = arith.constant 0 : i32
        %dma_start3A_171 = tpu.memref_slice %arg7[%dma_start3A_169, %dma_start3A_170] : memref<480x64xf32, #tpu.memory_space<vmem>> -> memref<250x64xf32, #tpu.memory_space<vmem>>
        tpu.enqueue_dma source(%dma_start3A_171 : memref<250x64xf32, #tpu.memory_space<vmem>>) target(%dma_start3A_168 : memref<250x64xf32, #tpu.memory_space<hbm>>) target_semaphore(%run_scoped3A_153 : memref<!tpu.dma_semaphore, #tpu.memory_space<semaphore_mem>>)
        %dma_wait3A_172 = arith.constant 0 : i32
        %dma_wait3A_173 = arith.constant 0 : i32
        %dma_wait3A_174 = tpu.memref_slice %arg7[%dma_wait3A_172, %dma_wait3A_173] : memref<480x64xf32, #tpu.memory_space<vmem>> -> memref<250x64xf32, #tpu.memory_space<vmem>>
        %dma_wait3A_175 = arith.constant 0 : i32
        %dma_wait3A_176 = arith.constant 0 : i32
        %dma_wait3A_177 = tpu.memref_slice %arg4[%arg0, %dma_wait3A_175, %dma_wait3A_176] : memref<2x10000x64xf32, #tpu.memory_space<hbm>> -> memref<1x10000x64xf32, #tpu.memory_space<hbm>>
        %dma_wait3A_178 = tpu.memref_squeeze %dma_wait3A_177 : memref<1x10000x64xf32, #tpu.memory_space<hbm>> -> memref<10000x64xf32, #tpu.memory_space<hbm>>
        %dma_wait3A_179 = arith.constant 0 : i32
        %dma_wait3A_180 = tpu.memref_slice %dma_wait3A_178[%add3A_152, %dma_wait3A_179] : memref<10000x64xf32, #tpu.memory_space<hbm>> -> memref<250x64xf32, #tpu.memory_space<hbm>>
        %dma_wait3A_181 = arith.constant 0 : i32
        %dma_wait3A_182 = arith.constant 0 : i32
        %dma_wait3A_183 = tpu.memref_slice %arg4[%arg0, %dma_wait3A_181, %dma_wait3A_182] : memref<2x10000x64xf32, #tpu.memory_space<hbm>> -> memref<1x10000x64xf32, #tpu.memory_space<hbm>>
        %dma_wait3A_184 = tpu.memref_squeeze %dma_wait3A_183 : memref<1x10000x64xf32, #tpu.memory_space<hbm>> -> memref<10000x64xf32, #tpu.memory_space<hbm>>
        %dma_wait3A_185 = arith.constant 0 : i32
        %dma_wait3A_186 = tpu.memref_slice %dma_wait3A_184[%add3A_152, %dma_wait3A_185] : memref<10000x64xf32, #tpu.memory_space<hbm>> -> memref<250x64xf32, #tpu.memory_space<hbm>>
        %dma_wait3A_187 = arith.constant 0 : i32
        %dma_wait3A_188 = arith.constant 0 : i32
        %dma_wait3A_189 = tpu.memref_slice %arg7[%dma_wait3A_187, %dma_wait3A_188] : memref<480x64xf32, #tpu.memory_space<vmem>> -> memref<250x64xf32, #tpu.memory_space<vmem>>
        tpu.wait_dma2 semaphore(%run_scoped3A_153 : memref<!tpu.dma_semaphore, #tpu.memory_space<semaphore_mem>>) src(%dma_wait3A_189 : memref<250x64xf32, #tpu.memory_space<vmem>>) dst(%dma_wait3A_186 : memref<250x64xf32, #tpu.memory_space<hbm>>)
        tpu.yield
      }) : () -> ()
    } else {
    }
    return
  }
}

#map = affine_map<(d0, d1) -> (0, 0, 0, 0)>
#map1 = affine_map<(d0, d1) -> (0)>
module attributes {stable_mosaic.version = 14 : i64} {
  func.func @deg_kernel(%arg0: i32, %arg1: i32, %arg2: memref<2x16x250x80xi32, #tpu.memory_space<hbm>>, %arg3: memref<20000xf32, #tpu.memory_space<hbm>>, %arg4: memref<125x80xi32, #tpu.memory_space<vmem>>, %arg5: memref<80xf32, #tpu.memory_space<vmem>>, %arg6: memref<10000xf32, #tpu.memory_space<vmem>>, %arg7: memref<10000xf32, #tpu.memory_space<vmem_shared>>, %arg8: memref<!tpu.dma_semaphore, #tpu.memory_space<semaphore_mem>>) attributes {dimension_semantics = [#tpu.dimension_semantics<core_parallel>, #tpu.dimension_semantics<subcore_parallel>], iteration_bounds = array<i64: 2, 16>, scalar_prefetch = 0 : i64, scratch_operands = 5 : i64, tpu.core_type = #tpu.core_type<sc_vector_subcore>, window_params = [{transform_indices = #map}, {transform_indices = #map1}]} {
    %mul3A = arith.constant 125 : i32
    %mul3A_0 = arith.muli %arg0, %mul3A : i32
    %run_scoped3A = arith.constant 1 : i32
    "tpu.region"() ({
      %run_scoped3A_45 = tpu.sem_alloc : memref<!tpu.dma_semaphore, #tpu.memory_space<semaphore_mem>>
      %dma_start3A = arith.constant 0 : i32
      %dma_start3A_46 = tpu.memref_slice %arg2[%run_scoped3A, %arg1, %mul3A_0, %dma_start3A] : memref<2x16x250x80xi32, #tpu.memory_space<hbm>> -> memref<1x1x125x80xi32, #tpu.memory_space<hbm>>
      %dma_start3A_47 = tpu.memref_squeeze %dma_start3A_46 : memref<1x1x125x80xi32, #tpu.memory_space<hbm>> -> memref<125x80xi32, #tpu.memory_space<hbm>>
      %dma_start3A_48 = arith.constant 0 : i32
      %dma_start3A_49 = tpu.memref_slice %arg2[%run_scoped3A, %arg1, %mul3A_0, %dma_start3A_48] : memref<2x16x250x80xi32, #tpu.memory_space<hbm>> -> memref<1x1x125x80xi32, #tpu.memory_space<hbm>>
      %dma_start3A_50 = tpu.memref_squeeze %dma_start3A_49 : memref<1x1x125x80xi32, #tpu.memory_space<hbm>> -> memref<125x80xi32, #tpu.memory_space<hbm>>
      tpu.enqueue_dma source(%dma_start3A_50 : memref<125x80xi32, #tpu.memory_space<hbm>>) target(%arg4 : memref<125x80xi32, #tpu.memory_space<vmem>>) target_semaphore(%run_scoped3A_45 : memref<!tpu.dma_semaphore, #tpu.memory_space<semaphore_mem>>)
      %dma_wait3A = arith.constant 0 : i32
      %dma_wait3A_51 = tpu.memref_slice %arg2[%run_scoped3A, %arg1, %mul3A_0, %dma_wait3A] : memref<2x16x250x80xi32, #tpu.memory_space<hbm>> -> memref<1x1x125x80xi32, #tpu.memory_space<hbm>>
      %dma_wait3A_52 = tpu.memref_squeeze %dma_wait3A_51 : memref<1x1x125x80xi32, #tpu.memory_space<hbm>> -> memref<125x80xi32, #tpu.memory_space<hbm>>
      %dma_wait3A_53 = arith.constant 0 : i32
      %dma_wait3A_54 = tpu.memref_slice %arg2[%run_scoped3A, %arg1, %mul3A_0, %dma_wait3A_53] : memref<2x16x250x80xi32, #tpu.memory_space<hbm>> -> memref<1x1x125x80xi32, #tpu.memory_space<hbm>>
      %dma_wait3A_55 = tpu.memref_squeeze %dma_wait3A_54 : memref<1x1x125x80xi32, #tpu.memory_space<hbm>> -> memref<125x80xi32, #tpu.memory_space<hbm>>
      tpu.wait_dma2 semaphore(%run_scoped3A_45 : memref<!tpu.dma_semaphore, #tpu.memory_space<semaphore_mem>>) src(%dma_wait3A_55 : memref<125x80xi32, #tpu.memory_space<hbm>>) dst(%arg4 : memref<125x80xi32, #tpu.memory_space<vmem>>)
      tpu.yield
    }) : () -> ()
    %broadcast_in_dim3A = arith.constant 1.000000e+00 : f32
    %broadcast_in_dim3A_1 = vector.broadcast %broadcast_in_dim3A : f32 to vector<16xf32>
    %swap3A = arith.constant 0 : index
    %swap3A_2 = tpu.vector_load %arg5[%swap3A] {strides = array<i32>} : memref<80xf32, #tpu.memory_space<vmem>>, vector<16xf32>,
    %swap3A_3 = vector.shape_cast %swap3A_2 : vector<16xf32> to vector<16xf32>
    %swap3A_4 = vector.shape_cast %broadcast_in_dim3A_1 : vector<16xf32> to vector<16xf32>
    tpu.vector_store %arg5[%swap3A], %swap3A_4 {strides = array<i32>} : memref<80xf32, #tpu.memory_space<vmem>>, vector<16xf32>,
    %broadcast_in_dim3A_5 = arith.constant 1.000000e+00 : f32
    %broadcast_in_dim3A_6 = vector.broadcast %broadcast_in_dim3A_5 : f32 to vector<16xf32>
    %swap3A_7 = arith.constant 16 : index
    %swap3A_8 = tpu.vector_load %arg5[%swap3A_7] {strides = array<i32>} : memref<80xf32, #tpu.memory_space<vmem>>, vector<16xf32>,
    %swap3A_9 = vector.shape_cast %swap3A_8 : vector<16xf32> to vector<16xf32>
    %swap3A_10 = vector.shape_cast %broadcast_in_dim3A_6 : vector<16xf32> to vector<16xf32>
    tpu.vector_store %arg5[%swap3A_7], %swap3A_10 {strides = array<i32>} : memref<80xf32, #tpu.memory_space<vmem>>, vector<16xf32>,
    %broadcast_in_dim3A_11 = arith.constant 1.000000e+00 : f32
    %broadcast_in_dim3A_12 = vector.broadcast %broadcast_in_dim3A_11 : f32 to vector<16xf32>
    %swap3A_13 = arith.constant 32 : index
    %swap3A_14 = tpu.vector_load %arg5[%swap3A_13] {strides = array<i32>} : memref<80xf32, #tpu.memory_space<vmem>>, vector<16xf32>,
    %swap3A_15 = vector.shape_cast %swap3A_14 : vector<16xf32> to vector<16xf32>
    %swap3A_16 = vector.shape_cast %broadcast_in_dim3A_12 : vector<16xf32> to vector<16xf32>
    tpu.vector_store %arg5[%swap3A_13], %swap3A_16 {strides = array<i32>} : memref<80xf32, #tpu.memory_space<vmem>>, vector<16xf32>,
    %broadcast_in_dim3A_17 = arith.constant 1.000000e+00 : f32
    %broadcast_in_dim3A_18 = vector.broadcast %broadcast_in_dim3A_17 : f32 to vector<16xf32>
    %swap3A_19 = arith.constant 48 : index
    %swap3A_20 = tpu.vector_load %arg5[%swap3A_19] {strides = array<i32>} : memref<80xf32, #tpu.memory_space<vmem>>, vector<16xf32>,
    %swap3A_21 = vector.shape_cast %swap3A_20 : vector<16xf32> to vector<16xf32>
    %swap3A_22 = vector.shape_cast %broadcast_in_dim3A_18 : vector<16xf32> to vector<16xf32>
    tpu.vector_store %arg5[%swap3A_19], %swap3A_22 {strides = array<i32>} : memref<80xf32, #tpu.memory_space<vmem>>, vector<16xf32>,
    %broadcast_in_dim3A_23 = arith.constant 1.000000e+00 : f32
    %broadcast_in_dim3A_24 = vector.broadcast %broadcast_in_dim3A_23 : f32 to vector<16xf32>
    %swap3A_25 = arith.constant 64 : index
    %swap3A_26 = tpu.vector_load %arg5[%swap3A_25] {strides = array<i32>} : memref<80xf32, #tpu.memory_space<vmem>>, vector<16xf32>,
    %swap3A_27 = vector.shape_cast %swap3A_26 : vector<16xf32> to vector<16xf32>
    %swap3A_28 = vector.shape_cast %broadcast_in_dim3A_24 : vector<16xf32> to vector<16xf32>
    tpu.vector_store %arg5[%swap3A_25], %swap3A_28 {strides = array<i32>} : memref<80xf32, #tpu.memory_space<vmem>>, vector<16xf32>,
    %eq3A = arith.constant 0 : i32
    %eq3A_29 = arith.cmpi eq, %arg1, %eq3A : i32
    %convert_element_type3A = arith.extui %eq3A_29 : i1 to i32
    %cond3A = arith.constant 0 : i32
    %cond3A_30 = arith.cmpi ne, %convert_element_type3A, %cond3A : i32
    scf.if %cond3A_30 {
      %scan3A_45 = arith.constant 0 : i32
      %scan3A_46 = arith.constant 625 : i32
      %scan3A_47 = arith.addi %scan3A_45, %scan3A_46 : i32
      %scan3A_48 = arith.constant 1 : i32
      scf.for %scan3A_50 = %scan3A_45 to %scan3A_47 step %scan3A_48  : i32 {
        %broadcast_in_dim3A_51 = arith.constant 0.000000e+00 : f32
        %broadcast_in_dim3A_52 = vector.broadcast %broadcast_in_dim3A_51 : f32 to vector<16xf32>
        %mul3A_53 = arith.constant 16 : i32
        %mul3A_54 = arith.muli %scan3A_50, %mul3A_53 : i32
        %swap3A_55 = arith.index_cast %mul3A_54 : i32 to index
        %swap3A_56 = tpu.vector_load %arg6[%swap3A_55] {strides = array<i32>} : memref<10000xf32, #tpu.memory_space<vmem>>, vector<16xf32>,
        %swap3A_57 = vector.shape_cast %swap3A_56 : vector<16xf32> to vector<16xf32>
        %swap3A_58 = vector.shape_cast %broadcast_in_dim3A_52 : vector<16xf32> to vector<16xf32>
        tpu.vector_store %arg6[%swap3A_55], %swap3A_58 {strides = array<i32>} : memref<10000xf32, #tpu.memory_space<vmem>>, vector<16xf32>,
      }
      %scan3A_49 = arith.constant 625 : i32
      "tpu.region"() ({
        %run_scoped3A_50 = tpu.sem_alloc : memref<!tpu.dma_semaphore, #tpu.memory_space<semaphore_mem>>
        tpu.enqueue_dma source(%arg6 : memref<10000xf32, #tpu.memory_space<vmem>>) target(%arg7 : memref<10000xf32, #tpu.memory_space<vmem_shared>>) target_semaphore(%run_scoped3A_50 : memref<!tpu.dma_semaphore, #tpu.memory_space<semaphore_mem>>)
        tpu.wait_dma2 semaphore(%run_scoped3A_50 : memref<!tpu.dma_semaphore, #tpu.memory_space<semaphore_mem>>) src(%arg6 : memref<10000xf32, #tpu.memory_space<vmem>>) dst(%arg7 : memref<10000xf32, #tpu.memory_space<vmem_shared>>)
        tpu.yield
      }) : () -> ()
    } else {
    }
    %barrier3A = arith.constant 0 : index
    tpu.barrier barrier_id(%barrier3A)
    %scan3A = arith.constant 0 : i32
    %scan3A_31 = arith.constant 125 : i32
    %scan3A_32 = arith.addi %scan3A, %scan3A_31 : i32
    %scan3A_33 = arith.constant 1 : i32
    scf.for %scan3A_45 = %scan3A to %scan3A_32 step %scan3A_33  : i32 {
      %dma_start3A = arith.constant 0 : i32
      %dma_start3A_46 = tpu.memref_slice %arg4[%scan3A_45, %dma_start3A] : memref<125x80xi32, #tpu.memory_space<vmem>> -> memref<1x80xi32, #tpu.memory_space<vmem>>
      %dma_start3A_47 = tpu.memref_squeeze %dma_start3A_46 : memref<1x80xi32, #tpu.memory_space<vmem>> -> memref<80xi32, #tpu.memory_space<vmem>>
      %dma_start3A_48 = arith.constant 0 : i32
      %dma_start3A_49 = tpu.memref_slice %arg7[%dma_start3A_48] : memref<10000xf32, #tpu.memory_space<vmem_shared>> -> memref<10000xf32, #tpu.memory_space<vmem_shared>>
      tpu.enqueue_indirect_dma source(%arg5 : memref<80xf32, #tpu.memory_space<vmem>>) target(%dma_start3A_49 : memref<10000xf32, #tpu.memory_space<vmem_shared>>) offsets(%dma_start3A_47 : memref<80xi32, #tpu.memory_space<vmem>>) semaphore(%arg8 : memref<!tpu.dma_semaphore, #tpu.memory_space<semaphore_mem>>) {add = true}
    }
    %scan3A_34 = arith.constant 125 : i32
    %scan3A_35 = arith.constant 0 : i32
    %scan3A_36 = arith.constant 125 : i32
    %scan3A_37 = arith.addi %scan3A_35, %scan3A_36 : i32
    %scan3A_38 = arith.constant 1 : i32
    scf.for %scan3A_45 = %scan3A_35 to %scan3A_37 step %scan3A_38  : i32 {
      %dma_wait3A = arith.constant 0 : i32
      %dma_wait3A_46 = arith.constant 0 : i32
      %dma_wait3A_47 = tpu.memref_slice %arg4[%dma_wait3A, %dma_wait3A_46] : memref<125x80xi32, #tpu.memory_space<vmem>> -> memref<1x80xi32, #tpu.memory_space<vmem>>
      %dma_wait3A_48 = tpu.memref_squeeze %dma_wait3A_47 : memref<1x80xi32, #tpu.memory_space<vmem>> -> memref<80xi32, #tpu.memory_space<vmem>>
      %dma_wait3A_49 = arith.constant 0 : i32
      %dma_wait3A_50 = tpu.memref_slice %arg7[%dma_wait3A_49] : memref<10000xf32, #tpu.memory_space<vmem_shared>> -> memref<10000xf32, #tpu.memory_space<vmem_shared>>
      tpu.wait_indirect_dma semaphore(%arg8 : memref<!tpu.dma_semaphore, #tpu.memory_space<semaphore_mem>>) src(%arg5 : memref<80xf32, #tpu.memory_space<vmem>>) dst(%dma_wait3A_50 : memref<10000xf32, #tpu.memory_space<vmem_shared>>)
    }
    %scan3A_39 = arith.constant 125 : i32
    %barrier3A_40 = arith.constant 0 : index
    tpu.barrier barrier_id(%barrier3A_40)
    %lt3A = arith.constant 10 : i32
    %lt3A_41 = arith.cmpi slt, %arg1, %lt3A : i32
    %convert_element_type3A_42 = arith.extui %lt3A_41 : i1 to i32
    %cond3A_43 = arith.constant 0 : i32
    %cond3A_44 = arith.cmpi ne, %convert_element_type3A_42, %cond3A_43 : i32
    scf.if %cond3A_44 {
      %mul3A_45 = arith.constant 1000 : i32
      %mul3A_46 = arith.muli %arg1, %mul3A_45 : i32
      "tpu.region"() ({
        %run_scoped3A_51 = tpu.sem_alloc : memref<!tpu.dma_semaphore, #tpu.memory_space<semaphore_mem>>
        %dma_start3A = arith.constant 0 : i32
        %dma_start3A_52 = tpu.memref_slice %arg6[%dma_start3A] : memref<10000xf32, #tpu.memory_space<vmem>> -> memref<1000xf32, #tpu.memory_space<vmem>>
        %dma_start3A_53 = tpu.memref_slice %arg7[%mul3A_46] : memref<10000xf32, #tpu.memory_space<vmem_shared>> -> memref<1000xf32, #tpu.memory_space<vmem_shared>>
        %dma_start3A_54 = arith.constant 0 : i32
        %dma_start3A_55 = tpu.memref_slice %arg6[%dma_start3A_54] : memref<10000xf32, #tpu.memory_space<vmem>> -> memref<1000xf32, #tpu.memory_space<vmem>>
        %dma_start3A_56 = tpu.memref_slice %arg7[%mul3A_46] : memref<10000xf32, #tpu.memory_space<vmem_shared>> -> memref<1000xf32, #tpu.memory_space<vmem_shared>>
        tpu.enqueue_dma source(%dma_start3A_56 : memref<1000xf32, #tpu.memory_space<vmem_shared>>) target(%dma_start3A_55 : memref<1000xf32, #tpu.memory_space<vmem>>) target_semaphore(%run_scoped3A_51 : memref<!tpu.dma_semaphore, #tpu.memory_space<semaphore_mem>>)
        %dma_wait3A = arith.constant 0 : i32
        %dma_wait3A_57 = tpu.memref_slice %arg6[%dma_wait3A] : memref<10000xf32, #tpu.memory_space<vmem>> -> memref<1000xf32, #tpu.memory_space<vmem>>
        %dma_wait3A_58 = tpu.memref_slice %arg7[%mul3A_46] : memref<10000xf32, #tpu.memory_space<vmem_shared>> -> memref<1000xf32, #tpu.memory_space<vmem_shared>>
        %dma_wait3A_59 = arith.constant 0 : i32
        %dma_wait3A_60 = tpu.memref_slice %arg6[%dma_wait3A_59] : memref<10000xf32, #tpu.memory_space<vmem>> -> memref<1000xf32, #tpu.memory_space<vmem>>
        %dma_wait3A_61 = tpu.memref_slice %arg7[%mul3A_46] : memref<10000xf32, #tpu.memory_space<vmem_shared>> -> memref<1000xf32, #tpu.memory_space<vmem_shared>>
        tpu.wait_dma2 semaphore(%run_scoped3A_51 : memref<!tpu.dma_semaphore, #tpu.memory_space<semaphore_mem>>) src(%dma_wait3A_61 : memref<1000xf32, #tpu.memory_space<vmem_shared>>) dst(%dma_wait3A_60 : memref<1000xf32, #tpu.memory_space<vmem>>)
        tpu.yield
      }) : () -> ()
      %mul3A_47 = arith.constant 10000 : i32
      %mul3A_48 = arith.muli %arg0, %mul3A_47 : i32
      %mul3A_49 = arith.constant 1000 : i32
      %mul3A_50 = arith.muli %arg1, %mul3A_49 : i32
      %add3A = arith.addi %mul3A_48, %mul3A_50 : i32
      "tpu.region"() ({
        %run_scoped3A_51 = tpu.sem_alloc : memref<!tpu.dma_semaphore, #tpu.memory_space<semaphore_mem>>
        %dma_start3A = arith.constant 0 : i32
        %dma_start3A_52 = tpu.memref_slice %arg6[%dma_start3A] : memref<10000xf32, #tpu.memory_space<vmem>> -> memref<1000xf32, #tpu.memory_space<vmem>>
        %dma_start3A_53 = tpu.memref_slice %arg3[%add3A] : memref<20000xf32, #tpu.memory_space<hbm>> -> memref<1000xf32, #tpu.memory_space<hbm>>
        %dma_start3A_54 = tpu.memref_slice %arg3[%add3A] : memref<20000xf32, #tpu.memory_space<hbm>> -> memref<1000xf32, #tpu.memory_space<hbm>>
        %dma_start3A_55 = arith.constant 0 : i32
        %dma_start3A_56 = tpu.memref_slice %arg6[%dma_start3A_55] : memref<10000xf32, #tpu.memory_space<vmem>> -> memref<1000xf32, #tpu.memory_space<vmem>>
        tpu.enqueue_dma source(%dma_start3A_56 : memref<1000xf32, #tpu.memory_space<vmem>>) target(%dma_start3A_54 : memref<1000xf32, #tpu.memory_space<hbm>>) target_semaphore(%run_scoped3A_51 : memref<!tpu.dma_semaphore, #tpu.memory_space<semaphore_mem>>)
        %dma_wait3A = arith.constant 0 : i32
        %dma_wait3A_57 = tpu.memref_slice %arg6[%dma_wait3A] : memref<10000xf32, #tpu.memory_space<vmem>> -> memref<1000xf32, #tpu.memory_space<vmem>>
        %dma_wait3A_58 = tpu.memref_slice %arg3[%add3A] : memref<20000xf32, #tpu.memory_space<hbm>> -> memref<1000xf32, #tpu.memory_space<hbm>>
        %dma_wait3A_59 = tpu.memref_slice %arg3[%add3A] : memref<20000xf32, #tpu.memory_space<hbm>> -> memref<1000xf32, #tpu.memory_space<hbm>>
        %dma_wait3A_60 = arith.constant 0 : i32
        %dma_wait3A_61 = tpu.memref_slice %arg6[%dma_wait3A_60] : memref<10000xf32, #tpu.memory_space<vmem>> -> memref<1000xf32, #tpu.memory_space<vmem>>
        tpu.wait_dma2 semaphore(%run_scoped3A_51 : memref<!tpu.dma_semaphore, #tpu.memory_space<semaphore_mem>>) src(%dma_wait3A_61 : memref<1000xf32, #tpu.memory_space<vmem>>) dst(%dma_wait3A_59 : memref<1000xf32, #tpu.memory_space<hbm>>)
        tpu.yield
      }) : () -> ()
    } else {
    }
    return
  }
}

module attributes {stable_mosaic.version = 14 : i64} {
  func.func @_matmul_tc_kernel(%arg0: i32, %arg1: memref<1000x128xf32, #tpu.memory_space<vmem>>, %arg2: memref<128x128xf32, #tpu.memory_space<vmem>>, %arg3: memref<1000x128xf32, #tpu.memory_space<vmem>>) attributes {dimension_semantics = [#tpu.dimension_semantics<arbitrary>], iteration_bounds = array<i64: 10>, scalar_prefetch = 0 : i64, scratch_operands = 0 : i64, tpu.core_type = #tpu.core_type<tc>, window_params = [{transform_indices = @transform_0, window_bounds = array<i64: 1000, 128>}, {pipeline_mode = #tpu.pipeline_mode<synchronous>, transform_indices = @transform_1, window_bounds = array<i64: 128, 128>}, {transform_indices = @transform_2, window_bounds = array<i64: 1000, 128>}]} {
    %get3A = arith.constant 0 : index
    %get3A_0 = arith.constant 0 : index
    %get3A_1 = vector.load %arg1[%get3A, %get3A_0] : memref<1000x128xf32, #tpu.memory_space<vmem>>, vector<1000x128xf32>
    %get3A_2 = arith.constant 0 : index
    %get3A_3 = arith.constant 0 : index
    %get3A_4 = vector.load %arg2[%get3A_2, %get3A_3] : memref<128x128xf32, #tpu.memory_space<vmem>>, vector<128x128xf32>
    %dot_general3A = arith.constant dense<0.000000e+00> : vector<1000x128xf32>
    %dot_general3A_5 = tpu.matmul %get3A_1, %get3A_4, %dot_general3A {dimension_numbers = #tpu.dot_dimension_numbers<[1], [0], [0], [1], [0, 0, 1, 1], [], []>, transpose_lhs_hint = false} : vector<1000x128xf32>, vector<128x128xf32>, vector<1000x128xf32> -> vector<1000x128xf32>
    %swap3A = arith.constant 0 : index
    %swap3A_6 = arith.constant 0 : index
    %swap3A_7 = vector.load %arg3[%swap3A, %swap3A_6] : memref<1000x128xf32, #tpu.memory_space<vmem>>, vector<1000x128xf32>
    tpu.vector_store %arg3[%swap3A, %swap3A_6], %dot_general3A_5 {strides = array<i32>} : memref<1000x128xf32, #tpu.memory_space<vmem>>, vector<1000x128xf32>,
    return
  }
  func.func @transform_0(%arg0: i32) -> (i32, i32) {
    %c0_i32 = arith.constant 0 : i32
    %c0_i32_0 = arith.constant 0 : i32
    return %arg0, %c0_i32 : i32, i32
  }
  func.func @transform_1(%arg0: i32) -> (i32, i32) {
    %c0_i32 = arith.constant 0 : i32
    %c0_i32_0 = arith.constant 0 : i32
    %c0_i32_1 = arith.constant 0 : i32
    return %c0_i32, %c0_i32_0 : i32, i32
  }
  func.func @transform_2(%arg0: i32) -> (i32, i32) {
    %c0_i32 = arith.constant 0 : i32
    %c0_i32_0 = arith.constant 0 : i32
    return %arg0, %c0_i32 : i32, i32
  }
}

module attributes {stable_mosaic.version = 14 : i64} {
  func.func @_scale_tc_kernel(%arg0: i32, %arg1: memref<1000x128xf32, #tpu.memory_space<vmem>>, %arg2: memref<1000x2xf32, #tpu.memory_space<vmem>>, %arg3: memref<2x1000x64xf32, #tpu.memory_space<vmem>>) attributes {dimension_semantics = [#tpu.dimension_semantics<arbitrary>], iteration_bounds = array<i64: 10>, scalar_prefetch = 0 : i64, scratch_operands = 0 : i64, tpu.core_type = #tpu.core_type<tc>, window_params = [{transform_indices = @transform_0, window_bounds = array<i64: 1000, 128>}, {transform_indices = @transform_1, window_bounds = array<i64: 1000, 2>}, {transform_indices = @transform_2, window_bounds = array<i64: 2, 1000, 64>}]} {
    %get3A = arith.constant 0 : index
    %get3A_0 = arith.constant 0 : index
    %get3A_1 = vector.load %arg2[%get3A, %get3A_0] : memref<1000x2xf32, #tpu.memory_space<vmem>>, vector<1000x1xf32>
    %get3A_2 = arith.constant 0 : index
    %get3A_3 = arith.constant 1 : index
    %get3A_4 = vector.load %arg2[%get3A_2, %get3A_3] : memref<1000x2xf32, #tpu.memory_space<vmem>>, vector<1000x1xf32>
    %add3A = arith.addf %get3A_1, %get3A_4 : vector<1000x1xf32>
    %add3A_5 = arith.constant 1.000000e+00 : f32
    %add3A_6 = vector.broadcast %add3A_5 : f32 to vector<1000x1xf32>
    %add3A_7 = arith.addf %add3A, %add3A_6 : vector<1000x1xf32>
    %rsqrt3A = math.rsqrt %add3A_7 : vector<1000x1xf32>
    %get3A_8 = arith.constant 0 : index
    %get3A_9 = arith.constant 0 : index
    %get3A_10 = vector.load %arg1[%get3A_8, %get3A_9] : memref<1000x128xf32, #tpu.memory_space<vmem>>, vector<1000x128xf32>
    %mul3A = vector.broadcast %rsqrt3A : vector<1000x1xf32> to vector<1000x128xf32>
    %mul3A_11 = arith.mulf %get3A_10, %mul3A : vector<1000x128xf32>
    %slice3A = vector.extract_strided_slice %mul3A_11 {offsets = [0, 0], sizes = [1000, 64], strides = [1, 1]} : vector<1000x128xf32> to vector<1000x64xf32>
    %swap3A = arith.constant 0 : index
    %swap3A_12 = arith.constant 0 : index
    %swap3A_13 = arith.constant 0 : index
    %swap3A_14 = vector.load %arg3[%swap3A, %swap3A_12, %swap3A_13] : memref<2x1000x64xf32, #tpu.memory_space<vmem>>, vector<1x1000x64xf32>
    %swap3A_15 = vector.shape_cast %swap3A_14 : vector<1x1000x64xf32> to vector<1000x64xf32>
    %swap3A_16 = vector.shape_cast %slice3A : vector<1000x64xf32> to vector<1x1000x64xf32>
    tpu.vector_store %arg3[%swap3A, %swap3A_12, %swap3A_13], %swap3A_16 {strides = array<i32>} : memref<2x1000x64xf32, #tpu.memory_space<vmem>>, vector<1x1000x64xf32>,
    %slice3A_17 = vector.extract_strided_slice %mul3A_11 {offsets = [0, 64], sizes = [1000, 64], strides = [1, 1]} : vector<1000x128xf32> to vector<1000x64xf32>
    %swap3A_18 = arith.constant 1 : index
    %swap3A_19 = arith.constant 0 : index
    %swap3A_20 = arith.constant 0 : index
    %swap3A_21 = vector.load %arg3[%swap3A_18, %swap3A_19, %swap3A_20] : memref<2x1000x64xf32, #tpu.memory_space<vmem>>, vector<1x1000x64xf32>
    %swap3A_22 = vector.shape_cast %swap3A_21 : vector<1x1000x64xf32> to vector<1000x64xf32>
    %swap3A_23 = vector.shape_cast %slice3A_17 : vector<1000x64xf32> to vector<1x1000x64xf32>
    tpu.vector_store %arg3[%swap3A_18, %swap3A_19, %swap3A_20], %swap3A_23 {strides = array<i32>} : memref<2x1000x64xf32, #tpu.memory_space<vmem>>, vector<1x1000x64xf32>,
    return
  }
  func.func @transform_0(%arg0: i32) -> (i32, i32) {
    %c0_i32 = arith.constant 0 : i32
    %c0_i32_0 = arith.constant 0 : i32
    return %arg0, %c0_i32 : i32, i32
  }
  func.func @transform_1(%arg0: i32) -> (i32, i32) {
    %c0_i32 = arith.constant 0 : i32
    %c0_i32_0 = arith.constant 0 : i32
    return %arg0, %c0_i32 : i32, i32
  }
  func.func @transform_2(%arg0: i32) -> (i32, i32, i32) {
    %c0_i32 = arith.constant 0 : i32
    %c0_i32_0 = arith.constant 0 : i32
    %c0_i32_1 = arith.constant 0 : i32
    return %c0_i32, %arg0, %c0_i32_0 : i32, i32, i32
  }
}

module attributes {stable_mosaic.version = 14 : i64} {
  func.func @_final_tc_kernel(%arg0: i32, %arg1: memref<2x1000x64xf32, #tpu.memory_space<vmem>>, %arg2: memref<2x1000x64xf32, #tpu.memory_space<vmem>>, %arg3: memref<1000x2xf32, #tpu.memory_space<vmem>>, %arg4: memref<1x128xf32, #tpu.memory_space<vmem>>, %arg5: memref<1000x128xf32, #tpu.memory_space<vmem>>) attributes {dimension_semantics = [#tpu.dimension_semantics<arbitrary>], iteration_bounds = array<i64: 10>, scalar_prefetch = 0 : i64, scratch_operands = 0 : i64, tpu.core_type = #tpu.core_type<tc>, window_params = [{transform_indices = @transform_0, window_bounds = array<i64: 2, 1000, 64>}, {transform_indices = @transform_1, window_bounds = array<i64: 2, 1000, 64>}, {transform_indices = @transform_2, window_bounds = array<i64: 1000, 2>}, {pipeline_mode = #tpu.pipeline_mode<synchronous>, transform_indices = @transform_3, window_bounds = array<i64: 1, 128>}, {transform_indices = @transform_4, window_bounds = array<i64: 1000, 128>}]} {
    %get3A = arith.constant 0 : index
    %get3A_0 = arith.constant 0 : index
    %get3A_1 = vector.load %arg3[%get3A, %get3A_0] : memref<1000x2xf32, #tpu.memory_space<vmem>>, vector<1000x1xf32>
    %get3A_2 = arith.constant 0 : index
    %get3A_3 = arith.constant 1 : index
    %get3A_4 = vector.load %arg3[%get3A_2, %get3A_3] : memref<1000x2xf32, #tpu.memory_space<vmem>>, vector<1000x1xf32>
    %add3A = arith.addf %get3A_1, %get3A_4 : vector<1000x1xf32>
    %add3A_5 = arith.constant 1.000000e+00 : f32
    %add3A_6 = vector.broadcast %add3A_5 : f32 to vector<1000x1xf32>
    %add3A_7 = arith.addf %add3A, %add3A_6 : vector<1000x1xf32>
    %rsqrt3A = math.rsqrt %add3A_7 : vector<1000x1xf32>
    %get3A_8 = arith.constant 0 : index
    %get3A_9 = arith.constant 0 : index
    %get3A_10 = arith.constant 0 : index
    %get3A_11 = vector.load %arg1[%get3A_8, %get3A_9, %get3A_10] : memref<2x1000x64xf32, #tpu.memory_space<vmem>>, vector<1x1000x64xf32>
    %get3A_12 = vector.shape_cast %get3A_11 : vector<1x1000x64xf32> to vector<1000x64xf32>
    %get3A_13 = arith.constant 0 : index
    %get3A_14 = arith.constant 0 : index
    %get3A_15 = arith.constant 0 : index
    %get3A_16 = vector.load %arg2[%get3A_13, %get3A_14, %get3A_15] : memref<2x1000x64xf32, #tpu.memory_space<vmem>>, vector<1x1000x64xf32>
    %get3A_17 = vector.shape_cast %get3A_16 : vector<1x1000x64xf32> to vector<1000x64xf32>
    %add3A_18 = arith.addf %get3A_12, %get3A_17 : vector<1000x64xf32>
    %get3A_19 = arith.constant 1 : index
    %get3A_20 = arith.constant 0 : index
    %get3A_21 = arith.constant 0 : index
    %get3A_22 = vector.load %arg1[%get3A_19, %get3A_20, %get3A_21] : memref<2x1000x64xf32, #tpu.memory_space<vmem>>, vector<1x1000x64xf32>
    %get3A_23 = vector.shape_cast %get3A_22 : vector<1x1000x64xf32> to vector<1000x64xf32>
    %get3A_24 = arith.constant 1 : index
    %get3A_25 = arith.constant 0 : index
    %get3A_26 = arith.constant 0 : index
    %get3A_27 = vector.load %arg2[%get3A_24, %get3A_25, %get3A_26] : memref<2x1000x64xf32, #tpu.memory_space<vmem>>, vector<1x1000x64xf32>
    %get3A_28 = vector.shape_cast %get3A_27 : vector<1x1000x64xf32> to vector<1000x64xf32>
    %add3A_29 = arith.addf %get3A_23, %get3A_28 : vector<1000x64xf32>
    %concatenate3A = tpu.concatenate %add3A_18, %add3A_29 in 1 : vector<1000x64xf32>, vector<1000x64xf32> -> vector<1000x128xf32>
    %mul3A = vector.broadcast %rsqrt3A : vector<1000x1xf32> to vector<1000x128xf32>
    %mul3A_30 = arith.mulf %concatenate3A, %mul3A : vector<1000x128xf32>
    %get3A_31 = arith.constant 0 : index
    %get3A_32 = arith.constant 0 : index
    %get3A_33 = vector.load %arg4[%get3A_31, %get3A_32] : memref<1x128xf32, #tpu.memory_space<vmem>>, vector<1x128xf32>
    %add3A_34 = vector.broadcast %get3A_33 : vector<1x128xf32> to vector<1000x128xf32>
    %add3A_35 = arith.addf %mul3A_30, %add3A_34 : vector<1000x128xf32>
    %swap3A = arith.constant 0 : index
    %swap3A_36 = arith.constant 0 : index
    %swap3A_37 = vector.load %arg5[%swap3A, %swap3A_36] : memref<1000x128xf32, #tpu.memory_space<vmem>>, vector<1000x128xf32>
    tpu.vector_store %arg5[%swap3A, %swap3A_36], %add3A_35 {strides = array<i32>} : memref<1000x128xf32, #tpu.memory_space<vmem>>, vector<1000x128xf32>,
    return
  }
  func.func @transform_0(%arg0: i32) -> (i32, i32, i32) {
    %c0_i32 = arith.constant 0 : i32
    %c0_i32_0 = arith.constant 0 : i32
    %c0_i32_1 = arith.constant 0 : i32
    return %c0_i32, %arg0, %c0_i32_0 : i32, i32, i32
  }
  func.func @transform_1(%arg0: i32) -> (i32, i32, i32) {
    %c0_i32 = arith.constant 0 : i32
    %c0_i32_0 = arith.constant 0 : i32
    %c0_i32_1 = arith.constant 0 : i32
    return %c0_i32, %arg0, %c0_i32_0 : i32, i32, i32
  }
  func.func @transform_2(%arg0: i32) -> (i32, i32) {
    %c0_i32 = arith.constant 0 : i32
    %c0_i32_0 = arith.constant 0 : i32
    return %arg0, %c0_i32 : i32, i32
  }
  func.func @transform_3(%arg0: i32) -> (i32, i32) {
    %c0_i32 = arith.constant 0 : i32
    %c0_i32_0 = arith.constant 0 : i32
    %c0_i32_1 = arith.constant 0 : i32
    return %c0_i32, %c0_i32_0 : i32, i32
  }
  func.func @transform_4(%arg0: i32) -> (i32, i32) {
    %c0_i32 = arith.constant 0 : i32
    %c0_i32_0 = arith.constant 0 : i32
    return %arg0, %c0_i32 : i32, i32
  }
}

</mosaic_0001>

<sc_bundles>
// kernel: kernel.10.cloned.1.call-start
scs
__scs_entry_jumppad:
0x0: {  	(pc) =	sbr.rel $0x88, $3  }
0x1: {  	(tag) =	ssettag $0x0;
	lr =	simm.s32 $0x1  }
0x2: {  	[smem:$0x3F9D] =	sst lr;
	_ =	strace $0xD0000000  }
0x3: {  	_ = 	snop  }
0x4: {  	_ = 	snop  }
0x5: {  	_ = 	snop  }
0x6: {  	_ = 	snop  }
0x7: {  	_ = 	snop  }
__scs_overlays_trampoline_lowered:
0x8: {  	[smem:$0x3FAC] =	sst s0  }
0x9: {  	[smem:$0x3FAD] =	sst s1  }
0xa: {  	[smem:$0x3FAE] =	sst s2  }
0xb: {  	[smem:$0x3FAF] =	sst s3  }
0xc: {  	[smem:$0x3FB0] =	sst s4  }
0xd: {  	[smem:$0x3FB1] =	sst s5  }
0xe: {  	[smem:$0x3FB2] =	sst s6  }
0xf: {  	[smem:$0x3FB3] =	sst s7  }
0x10: {  	[smem:$0x3FB4] =	sst s8  }
0x11: {  	[smem:$0x3FB5] =	sst s9;
	s0 =	simm.s32 @!p0 $0x0  }
0x12: {  	s1 =	sld [smem:$0x3F9B];
	s0 =	simm.s32 @p0 $0x1  }
0x13: {  	[smem:$0x3FB6] =	sst s0;
	s0 =	simm.s32 @!p1 $0x0  }
0x14: {  	s2 =	sld [smem:$0x3F9A];
	s0 =	simm.s32 @p1 $0x1  }
0x15: {  	[smem:$0x3FB7] =	sst s0;
	s0 =	simm.s32 @!p2 $0x0  }
0x16: {  	s3 =	sld [smem:$0x3FDB];
	s0 =	simm.s32 @p2 $0x1  }
0x17: {  	s4 =	simm.s32 $0x1BF5;
	[smem:$0x3FB9] =	sst s0  }
0x18: {  	s0 =	sld [smem:$0x3F9C];
	_ =	swait.ge [sflag:s4], $0x0  }
0x19: {  	s7 =	sld [smem:$0x3F9D]  }
0x1a: {  	s8 =	sadd.s32 $0xFFFFE003, lr  }
0x1b: {  	s9 =	sadd.s32 $0xFFFFFEF7, lr;
	s5 =	simm.s32 $0xFFFFFFFF;
	p2 =	slt.u32 s8, $0xFFFFF086  }
0x1c: {  	p1 =	slt.u32 s9, $0xF7A;
	s5 =	simm.s32 @!p2 $0x0  }
0x1d: {  	s5 =	simm.s32 @p1 $0x1;
	p0 =	seq.s32 s7, s2  }
0x1e: {  	s7 =	smul.u32 @!p0 $0xF7A, s2;
	p2 =	seq.s32 @!p0 s5, $0x0  }
0x1f: {  	s9 =	smul.u32 $0xF7A, s1;
	s8 =	simm.s32 @!p0 $0x1BF5;
	p2 =	por !p2, p0  }
0x20: {  	[sflag:s8] =	ssyncset.s32 @!p0 $0xFFFFF086;
	s6 =	sadd.s32 @!p0 s3, s7;
	s7 =	simm.s32 @!p0 $0x108  }
0x21: {  	s3 =	sadd.s32 s3, s9;
	s6 =	sadd.s32 @!p0 $0x88, s6;
	s7 =	simm.s32 @p2 $0x1082  }
0x22: {  	[simem:s7], [sflag:s8] =	dma.local @!p0 [hbm:s6], $0xF7A  }
0x23: {  	s9 =	sor.u32 $0xD0000000, s2;
	s6 =	simm.s32 $0x108;
	_ =	swait.ge @!p0 [sflag:s8], $0x0  }
0x24: {  	s3 =	sadd.s32 $0x88, s3;
	s6 =	simm.s32 @!p1 $0x1082;
	[sflag:s4] =	ssyncset.s32 $0xFFFFF086  }
0x25: {  	[simem:s6], [sflag:s4] =	dma.local [hbm:s3], $0xF7A  }
0x26: {  	[smem:$0x3F9D] =	sst s1;
	(tag) =	ssettag s2;
	_ =	strace s9  }
0x27: {  	s1 =	sld [smem:$0x3FAD]  }
0x28: {  	s2 =	sld [smem:$0x3FAE]  }
0x29: {  	s4 =	sld [smem:$0x3FB0]  }
0x2a: {  	p0 =	seq.s32 s5, $0x0;
	s5 =	sld [smem:$0x3FB1]  }
0x2b: {  	s6 =	sld [smem:$0x3FB2]  }
0x2c: {  	s7 =	sld [smem:$0x3FB3]  }
0x2d: {  	s3 =	simm.s32 $0x108;
	s8 =	sld [smem:$0x3FB4]  }
0x2e: {  	s3 =	simm.s32 @!p0 $0x1082;
	s9 =	sld [smem:$0x3FB5]  }
0x2f: {  	lr =	sadd.s32 s0, s3;
	s0 =	sld [smem:$0x3FAC]  }
0x30: {  	s3 =	sld [smem:$0x3FAF]  }
0x31: {  	[smem:$0x3FB8] =	sst s10  }
0x32: {  	s10 =	sld [smem:$0x3FB6];
	_ =	sdelay $0x3  }
0x33: {  	p0 =	seq.s32 s10, $0x1;
	s10 =	sld [smem:$0x3FB8];
	_ =	sdelay $0x3  }
0x34: {  	[smem:$0x3FB8] =	sst s10  }
0x35: {  	s10 =	sld [smem:$0x3FB7];
	_ =	sdelay $0x3  }
0x36: {  	p1 =	seq.s32 s10, $0x1;
	s10 =	sld [smem:$0x3FB8];
	_ =	sdelay $0x3  }
0x37: {  	[smem:$0x3FB8] =	sst s10  }
0x38: {  	s10 =	sld [smem:$0x3FB9]  }
0x39: {  	_ = 	snop;
	(pc) =	sbr.ind lr, $3  }
0x3a: {  	_ = 	snop  }
0x3b: {  	_ = 	snop  }
0x3c: {  	p2 =	seq.s32 s10, $0x1;
	s10 =	sld [smem:$0x3FB8]  }
0x3d: {  	_ =	shalt  }
0x3e: {  	_ =	shalt  }
0x3f: {  	_ =	shalt  }
0x40: {  	_ =	shalt  }
0x41: {  	_ =	shalt  }
0x42: {  	_ =	shalt  }
0x43: {  	_ =	shalt  }
0x44: {  	_ =	shalt  }
0x45: {  	_ =	shalt  }
0x46: {  	_ =	shalt  }
0x47: {  	_ =	shalt  }
0x48: {  	_ =	shalt  }
0x49: {  	_ =	shalt  }
0x4a: {  	_ =	shalt  }
0x4b: {  	_ =	shalt  }
0x4c: {  	_ =	shalt  }
0x4d: {  	_ =	shalt  }
0x4e: {  	_ =	shalt  }
0x4f: {  	_ =	shalt  }
0x50: {  	_ =	shalt  }
0x51: {  	_ =	shalt  }
0x52: {  	_ =	shalt  }
0x53: {  	_ =	shalt  }
0x54: {  	_ =	shalt  }
0x55: {  	_ =	shalt  }
0x56: {  	_ =	shalt  }
0x57: {  	_ =	shalt  }
0x58: {  	_ =	shalt  }
0x59: {  	_ =	shalt  }
0x5a: {  	_ =	shalt  }
0x5b: {  	_ =	shalt  }
0x5c: {  	_ =	shalt  }
0x5d: {  	_ =	shalt  }
0x5e: {  	_ =	shalt  }
0x5f: {  	_ =	shalt  }
0x60: {  	_ =	shalt  }
0x61: {  	_ =	shalt  }
0x62: {  	_ =	shalt  }
0x63: {  	_ =	shalt  }
0x64: {  	_ =	shalt  }
0x65: {  	_ =	shalt  }
0x66: {  	_ =	shalt  }
0x67: {  	_ =	shalt  }
0x68: {  	_ =	shalt  }
0x69: {  	_ =	shalt  }
0x6a: {  	_ =	shalt  }
0x6b: {  	_ =	shalt  }
0x6c: {  	_ =	shalt  }
0x6d: {  	_ =	shalt  }
0x6e: {  	_ =	shalt  }
0x6f: {  	_ =	shalt  }
0x70: {  	_ =	shalt  }
0x71: {  	_ =	shalt  }
0x72: {  	_ =	shalt  }
0x73: {  	_ =	shalt  }
0x74: {  	_ =	shalt  }
0x75: {  	_ =	shalt  }
0x76: {  	_ =	shalt  }
0x77: {  	_ =	shalt  }
0x78: {  	_ =	shalt  }
0x79: {  	_ =	shalt  }
0x7a: {  	_ =	shalt  }
0x7b: {  	_ =	shalt  }
0x7c: {  	_ =	shalt  }
0x7d: {  	_ =	shalt  }
0x7e: {  	_ =	shalt  }
0x7f: {  	_ =	shalt  }
0x80: {  	_ =	shalt  }
0x81: {  	_ =	shalt  }
0x82: {  	_ =	shalt  }
0x83: {  	_ =	shalt  }
0x84: {  	_ =	shalt  }
0x85: {  	_ =	shalt  }
0x86: {  	_ =	shalt  }
0x87: {  	_ =	shalt  }
.Lfunc_end0:
.L_simem_size_0:
called_computation.1_lowered:
.L_overlay_start_0:
0x88: {  	s2 =	sld [smem:$0x3FD9]  }
0x89: {  	s3 =	sld [smem:$0x3FFE];
	_ =	sdelay $0x1  }
0x8a: {  	s1 =	srdreg.scid  }
0x8b: {  	s0 =	sand.u32 $0x1, s1  }
0x8c: {  	s17 =	sshll.u32 s0, $0xA;
	s2 =	sadd.s32 s3, s2  }
0x8d: {  	s2 =	sadd.s32 s2, s17  }
0x8e: {  	[smem:$0x3FC4] =	sst s2  }
0x8f: {  	_ = 	snop  }
0x90: {  	s2 =	sld [smem:$0x3FD0];
	(tm) =	ssettm $0x1  }
0x91: {  	s18 =	sld [smem:$0x3FFB];
	_ =	sdelay $0x3  }
0x92: {  	_ =	strace s18  }
0x93: {  	s3 =	sld [smem:$0x3FFC];
	_ =	sdelay $0x3  }
0x94: {  	_ =	strace s3  }
0x95: {  	s3 =	sld [smem:$0x3FFD];
	_ =	sdelay $0x3  }
0x96: {  	_ =	strace s3  }
0x97: {  	_ =	strace $0x8FFFFFFF  }
0x98: {  	s19 =	sld [smem:$0x3FDB];
	_ =	sdelay $0x1  }
0x99: {  	s4 =	simm.s32 $_scs_section_size  }
0x9a: {  	s5 =	simm.s32 $_size__tile_overlayer_lowered;
	s6 =	simm.s32 $_tile_overlayer_lowered  }
0x9b: {  	s22 =	simm.s32 $0x1BFF;
	s21 =	sshll.u32 s6, $0x1;
	s3 =	sadd.s32 s4, s19  }
0x9c: {  	s7 =	simm.s32 $0x0;
	s20 =	sshll.u32 s5, $0x1;
	s5 =	sadd.s32 s21, s3  }
0x9d: {  	[timem:s7], [sflag:s22] =	dma.local [hbm:s5], s20  }
0x9e: {  	_ =	swait.ge [sflag:s22], s20  }
0x9f: {  	s4 =	ssub.s32 $0x0, s20;
	[sflag:s22] =	ssyncset.done $0x0  }
0xa0: {  	[sflag:s22] =	ssyncadd.s32 s4;
	_ =	sdelay $0x1  }
0xa1: {  	s23 =	simm.s32 $0x1B8B  }
0xa2: {  	_ =	swait.ge [sflag:s23], $0x1  }
0xa3: {  	[sflag:s23] =	ssyncset.done $0x0  }
0xa4: {  	s25 =	simm.s32 $0x1B8E;
	s24 =	sld [smem:$0x3FFE];
	[sflag:s23] =	ssyncadd.s32 $0xFFFFFFFF  }
0xa5: {  	s26 =	simm.s32 $execute0_lowered;
	[smem:$0x3FD2] =	sst s25  }
0xa6: {  	s5 =	sshll.u32 s26, $0x1;
	_ =	strace $0x80000049;
	[dreg:$0x1] =	wrdreg $0xFFFFFFFF  }
0xa7: {  	s28 =	simm.s32 $_size_execute0_lowered;
	s3 =	sadd.s32 s3, s5;
	[dreg:$0x0] =	wrdreg $0x0  }
0xa8: {  	s5 =	sshll.u32 s28, $0x1;
	[dreg:$0x2] =	wrdreg s3  }
0xa9: {  	[dreg:$0x3] =	wrdreg s5  }
0xaa: {  	[dreg:$0x4] =	wrdreg $0xC0  }
0xab: {  	_ =	task [dreg:s7], $0x5FFFF  }
0xac: {  	[dreg:$0x1] =	wrdreg $0xFFFFFFFF  }
0xad: {  	[dreg:$0x0] =	wrdreg $0x60  }
0xae: {  	[dreg:$0x2] =	wrdreg s2  }
0xaf: {  	[dreg:$0x3] =	wrdreg s24  }
0xb0: {  	[dreg:$0x4] =	wrdreg $0x114400  }
0xb1: {  	[dreg:$0x5] =	wrdreg $0x9  }
0xb2: {  	_ =	task.clear_ibuf [dreg:s7], $0x6FFFF;
	_ =	strace $0x90000049  }
0xb3: {  	s29 =	simm.s32 $0x9;
	_ =	strace $0x8000004B  }
0xb4: {  	_ =	swait.ge [sflag:s29], $0x1  }
0xb5: {  	[sflag:s29] =	ssyncadd.s32 $0xFFFFFFFF  }
0xb6: {  	_ =	strace $0x9000004B  }
0xb7: {  	_ =	sfence  }
0xb8: {  	s30 =	sld [smem:$0x0];
	_ =	sdelay $0x2  }
0xb9: {  	s31 =	sshll.u32 s1, $0xD;
	s1 =	sshrl.u32 s1, $0x2  }
0xba: {  	s3 =	sand.u32 $0x4000, s31;
	s1 =	sadd.s32 s1, s30  }
0xbb: {  	s0 =	sor.u32 s3, s0;
	s1 =	sshll.u32 s1, $0x11  }
0xbc: {  	s0 =	sor.u32 s1, s0  }
0xbd: {  	s0 =	sadd.s32 $0x8F2B, s0  }
0xbe: {  	[sflag:s0] =	ssyncadd.remote.s32 $0x1  }
0xbf: {  	_ =	sfence.sel $0xFFFF  }
0xc0: {  	[dreg:$0x0] =	wrdreg $0xFFFFFFFF;
	(pc) =	sbr.abs _section_cstart, $3  }
0xc1: {  	[dreg:$0x1] =	wrdreg $0xFFFFFFFF  }
0xc2: {  	_ =	task.clear_ibuf [dreg:s7], $0x2FFFF;
	_ =	strace $0x9FFFFFFF  }
0xc3: {  	(tm) =	ssettm $0x7FFFFFFF  }
tec
execute0_lowered:
.L_overlay_start_1:
0x0: {  	(tag) =	ssettag $0x1  }
0x1: {  	s0 =	rddreg [dreg:$0x0]  }
0x2: {  	s1 =	rddreg [dreg:$0x1]  }
0x3: {  	s2 =	rddreg [dreg:$0x2];
	s3 =	simm.s32 $0x0  }
0x4: {  	s18 =	stileid.u32;
	s4 =	srdreg.scid;
	s28 =	simm.s32 $0x8  }
0x5: {  	s29 =	simm.s32 $0x9;
	s30 =	simm.s32 $0xA;
	s5 =	smul.u32 $0x4E20, s18  }
0x6: {  	s31 =	simm.s32 $0x0;
	[smem:$0x7FF] =	sst s3;
	s6 =	smul.u32 $0x3E800, s18  }
0x7: {  	s4 =	sand.u32 $0x1, s4;
	s13 =	smul.u32 $0xFA00, s18;
	p0 =	sgt.u32 s18, $0x9  }
0x8: {  	s18 =	simm.s32 $0x50;
	s10 =	smul.u32 $0x13880, s4;
	s4 =	ssub.s32 $0x2, s4  }
0x9: {  	_ =	strace $0x8000004A;
	s5 =	sshrl.u32 s5, $0x3;
	s7 =	sshrl.u32 s4, $0x1  }
0xa: {  	s6 =	sshrl.u32 s6, $0x2;
	s11 =	sadd.s32 s13, s2;
	s26 =	sadd.s32 $0x3E80, s13  }
0xb: {  	s17 =	sshrl.u32 s13, $0x3;
	s14 =	sadd.s32 $0x7D00, s13;
	s16 =	sadd.s32 $0xBB80, s13  }
0xc: {  	s5 =	sadd.s32 s5, s1;
	s1 =	sadd.s32 s10, s1;
	s15 =	ssub.s32 s4, s7  }
0xd: {  	s6 =	sadd.s32 s6, s2;
	s10 =	sadd.s32 s0, s10;
	s12 =	sadd.s32 s26, s2  }
0xe: {  	s0 =	sshrl.u32 s26, $0x3;
	s13 =	sadd.s32 s14, s2;
	s19 =	sshrl.u32 s14, $0x3  }
0xf: {  	s14 =	sadd.s32 s16, s2;
	s24 =	sshrl.u32 s16, $0x3;
	s16 =	simm.s32 $0xD  }
0x10: {  	s26 =	simm.s32 $0xC440;
	s4 =	sadd.s32 $0x1600, s5;
	s5 =	sadd.s32 $0xB240, s5  }
0x11: {  	s7 =	sadd.s32 $0x3E80, s6;
	s8 =	sadd.s32 $0x7D00, s6;
	s1 =	sadd.s32 $0x63200, s1  }
0x12: {  	s9 =	sadd.s32 $0xBB80, s6;
	s15 =	smax.u32 s15, $0x1;
	s21 =	sadd.s32 @!p0 s17, s1  }
0x13: {  	v0 =	vimm.f32 $0.0e+00;
	s22 =	sadd.s32 @!p0 s0, s1;
	s23 =	sadd.s32 @!p0 s19, s1;
	s24 =	sadd.s32 @!p0 s24, s1  }
.LBB2_1:
0x14: {  	[tilespmem:s3], [sflag:$0xD] =	stream.linear.gather [hbm4b:s4+s3], $0x4E20, $0x38;
	[tilespmem:$0x1B080] =	vst v63  }
0x15: {  	_ =	swait.ge [sflag:s16], $0x4E20  }
0x16: {  	[sflag:s16] =	ssyncset.done $0x0  }
0x17: {  	s0 =	simm.s32 $0x4E20;
	[sflag:s16] =	ssyncadd.s32 $0xFFFFB1E0  }
0x18: {  	[tilespmem:s0], [sflag:$0xD] =	stream.linear.gather [hbm4b:s5+s3], $0x4E20, $0x38;
	[tilespmem:$0x1B080] =	vst v63  }
0x19: {  	_ =	swait.ge [sflag:s16], $0x4E20  }
0x1a: {  	[sflag:s16] =	ssyncset.done $0x0  }
0x1b: {  	s1 =	simm.s32 $0x100;
	s0 =	simm.s32 $0x0;
	[sflag:s16] =	ssyncadd.s32 $0xFFFFB1E0  }
.LBB2_2:
0x1c: {  	p1 =	sne.s32 s1, $0xF900;
	[tilespmem:s0+$0x9C70] =	vst v0;
	s17 =	smov.u32 s1;
	s1 =	sadd.s32 $0x100, s1  }
.Ltmp0:
0x1d: {  	[tilespmem:s0+$0x9C60] =	vst v0;
	(pc) =	sbr.rel @p1 .LBB2_2-.Ltmp0, $3  }
0x1e: {  	[tilespmem:s0+$0x9C40] =	vst v0  }
0x1f: {  	[tilespmem:s0+$0x9C50] =	vst v0;
	_ =	sdelay $0x1  }
0x20: {  	s0 =	sshra.s32 s17, $0x2  }
0x21: {  	[tilespmem:s0+$0x9C70] =	vst v0  }
0x22: {  	[tilespmem:s0+$0x9C60] =	vst v0  }
0x23: {  	[tilespmem:s0+$0x9C40] =	vst v0  }
0x24: {  	[tilespmem:s0+$0x9C50] =	vst v0;
	s0 =	simm.s32 @!p0 $0x9C40;
	s1 =	simm.s32 @!p0 $0xD  }
0x25: {  	[spmem:s6] =	stream.linear.scatter @!p0 [tilespmem:s0], [sflag:$0xD], $0x3E80, $0x38;
	[tilespmem:$0x1B080] =	vst v63  }
0x26: {  	_ =	swait.ge @!p0 [sflag:s1], $0x3E80  }
0x27: {  	[sflag:s1] =	ssyncset.done @!p0 $0x0  }
0x28: {  	[sflag:s1] =	ssyncadd.s32 @!p0 $0xFFFFC180  }
0x29: {  	[spmem:s7] =	stream.linear.scatter @!p0 [tilespmem:s0], [sflag:$0xD], $0x3E80, $0x38;
	[tilespmem:$0x1B080] =	vst v63  }
0x2a: {  	_ =	swait.ge @!p0 [sflag:s1], $0x3E80  }
0x2b: {  	[sflag:s1] =	ssyncset.done @!p0 $0x0  }
0x2c: {  	[sflag:s1] =	ssyncadd.s32 @!p0 $0xFFFFC180  }
0x2d: {  	[spmem:s8] =	stream.linear.scatter @!p0 [tilespmem:s0], [sflag:$0xD], $0x3E80, $0x38;
	[tilespmem:$0x1B080] =	vst v63  }
0x2e: {  	_ =	swait.ge @!p0 [sflag:s1], $0x3E80  }
0x2f: {  	[sflag:s1] =	ssyncset.done @!p0 $0x0  }
0x30: {  	[sflag:s1] =	ssyncadd.s32 @!p0 $0xFFFFC180  }
0x31: {  	[spmem:s9] =	stream.linear.scatter @!p0 [tilespmem:s0], [sflag:$0xD], $0x3E80, $0x38;
	[tilespmem:$0x1B080] =	vst v63  }
0x32: {  	_ =	swait.ge @!p0 [sflag:s1], $0x3E80  }
0x33: {  	[sflag:s1] =	ssyncset.done @!p0 $0x0  }
0x34: {  	[sflag:s1] =	ssyncadd.s32 @!p0 $0xFFFFC180  }
0x35: {  	s19 =	simm.s32 $0x9C40;
	s0 =	simm.s32 $0x0;
	[bflag:$0x0] =	sbarrier.arrive $0xFFFF  }
0x36: {  	[tilespmem:s19], [sflag:$0x1] =	stream.indirect.gather [hbm4b:s10+s18], $0x40, s0, s18, $0xb8;
	[tilespmem:$0x1B080] =	vst v63  }
0x37: {  	s20 =	simm.s32 $0xB040  }
0x38: {  	[tilespmem:s20], [sflag:$0x2] =	stream.indirect.gather [hbm4b:s10+s18], $0x40, s18, s18, $0xb8;
	[tilespmem:$0x1B080] =	vst v63  }
0x39: {  	s25 =	simm.s32 $0xA0;
	s17 =	simm.s32 $0xF0;
	s1 =	simm.s32 $0x4E20  }
0x3a: {  	[tilespmem:s26], [sflag:$0x3] =	stream.indirect.gather [hbm4b:s10+s18], $0x40, s25, s18, $0xb8;
	[tilespmem:$0x1B080] =	vst v63  }
.LBB2_4:
0x3b: {  	s19 =	sadd.s32 $0x3, s0  }
0x3c: {  	s20 =	sand.u32 $0xFF, s19  }
0x3d: {  	s20 =	smul.u32 $0xAB, s20;
	_ =	sdelay $0x1  }
0x3e: {  	s20 =	sshrl.u32 s20, $0xA  }
0x3f: {  	s20 =	smul.u32 $0x6, s20;
	_ =	sdelay $0x1  }
0x40: {  	s19 =	ssub.s32 s19, s20  }
0x41: {  	p1 =	slt.u32 s0, $0x3;
	s19 =	sand.u32 $0xFF, s19  }
0x42: {  	s20 =	sadd.s32 @!p1 $0x7, s19  }
0x43: {  	p2 =	sgt.u32 @!p1 s0, $0xF6;
	_ =	swait.ge @!p1 [sflag:s20], $0x1400  }
0x44: {  	p2 =	por p1, !p2;
	[sflag:s20] =	ssyncset.done @!p1 $0x0  }
0x45: {  	[sflag:s20] =	ssyncadd.s32 @!p1 $0xFFFFEC00;
	s20 =	smul.u32 @p2 $0x5000, s19;
	_ =	sdelay $0x1  }
0x46: {  	s20 =	sshrl.u32 @p2 s20, $0x2  }
0x47: {  	s25 =	smul.u32 $0xAB, s0;
	s19 =	sadd.s32 @p2 $0x1, s19;
	s20 =	sadd.s32 @p2 $0x9C40, s20  }
0x48: {  	[tilespmem:s20], [sflag:s19] =	stream.indirect.gather @p2 [hbm4b:s10+s18], $0x40, s17, s18, $0xb8;
	[tilespmem:$0x1B080] =	vst v63  }
0x49: {  	s19 =	sshrl.u32 s25, $0xA  }
0x4a: {  	s19 =	sand.u32 $0x3F, s19  }
0x4b: {  	s19 =	smul.u32 $0x6, s19;
	_ =	sdelay $0x1  }
0x4c: {  	s19 =	ssub.s32 s0, s19  }
0x4d: {  	s0 =	sadd.s32 $0x1, s0;
	s19 =	sand.u32 $0xFF, s19  }
0x4e: {  	p1 =	sne.s32 s0, $0xFA;
	s20 =	smul.u32 $0x5000, s19;
	s25 =	sadd.s32 $0x1, s19  }
.Ltmp1:
0x4f: {  	_ =	swait.ge [sflag:s25], $0x1400;
	(pc) =	sbr.rel @p1 .LBB2_4-.Ltmp1, $4  }
0x50: {  	s20 =	sshrl.u32 s20, $0x2;
	[sflag:s25] =	ssyncset.done $0x0  }
0x51: {  	s19 =	sadd.s32 $0x7, s19;
	s20 =	sadd.s32 $0x9C40, s20;
	[sflag:s25] =	ssyncadd.s32 $0xFFFFEC00  }
0x52: {  	[spmem:s2] =	stream.indirect.scatter.add.f32 [tilespmem:s20], [sflag:s19], $0x40, s1, s18, $0xb8;
	[tilespmem:$0x1B080] =	vst v63  }
0x53: {  	s17 =	sadd.s32 $0x50, s17;
	s1 =	sadd.s32 $0x50, s1  }
0x54: {  	_ =	swait.ge [sflag:s28], $0x1400  }
0x55: {  	[sflag:s28] =	ssyncset.done $0x0  }
0x56: {  	[sflag:s28] =	ssyncadd.s32 $0xFFFFEC00  }
0x57: {  	_ =	swait.ge [sflag:s29], $0x1400  }
0x58: {  	[sflag:s29] =	ssyncset.done $0x0  }
0x59: {  	[sflag:s29] =	ssyncadd.s32 $0xFFFFEC00  }
0x5a: {  	_ =	swait.ge [sflag:s30], $0x1400  }
0x5b: {  	[sflag:s30] =	ssyncset.done $0x0  }
0x5c: {  	[sflag:s30] =	ssyncadd.s32 $0xFFFFEC00  }
0x5d: {  	s0 =	simm.s32 @!p0 $0x9C40;
	s1 =	simm.s32 @!p0 $0xD;
	[bflag:$0x0] =	sbarrier.arrive $0xFFFF  }
0x5e: {  	[tilespmem:s0], [sflag:$0xD] =	stream.linear.gather @!p0 [spmem:s11], $0x3E80, $0x38;
	[tilespmem:$0x1B080] =	vst v63  }
0x5f: {  	_ =	swait.ge @!p0 [sflag:s1], $0x3E80  }
0x60: {  	[sflag:s1] =	ssyncset.done @!p0 $0x0  }
0x61: {  	s17 =	simm.s32 @!p0 $0x0;
	[sflag:s1] =	ssyncadd.s32 @!p0 $0xFFFFC180  }
0x62: {  	[hbm4b:s21+s17] =	stream.linear.scatter @!p0 [tilespmem:s0], [sflag:$0xD], $0x3E80, $0x38;
	[tilespmem:$0x1B080] =	vst v63  }
0x63: {  	_ =	swait.ge @!p0 [sflag:s1], $0x3E80  }
0x64: {  	[sflag:s1] =	ssyncset.done @!p0 $0x0  }
0x65: {  	[sflag:s1] =	ssyncadd.s32 @!p0 $0xFFFFC180  }
0x66: {  	[tilespmem:s0], [sflag:$0xD] =	stream.linear.gather @!p0 [spmem:s12], $0x3E80, $0x38;
	[tilespmem:$0x1B080] =	vst v63  }
0x67: {  	_ =	swait.ge @!p0 [sflag:s1], $0x3E80  }
0x68: {  	[sflag:s1] =	ssyncset.done @!p0 $0x0  }
0x69: {  	[sflag:s1] =	ssyncadd.s32 @!p0 $0xFFFFC180  }
0x6a: {  	[hbm4b:s22+s17] =	stream.linear.scatter @!p0 [tilespmem:s0], [sflag:$0xD], $0x3E80, $0x38;
	[tilespmem:$0x1B080] =	vst v63  }
0x6b: {  	_ =	swait.ge @!p0 [sflag:s1], $0x3E80  }
0x6c: {  	[sflag:s1] =	ssyncset.done @!p0 $0x0  }
0x6d: {  	[sflag:s1] =	ssyncadd.s32 @!p0 $0xFFFFC180  }
0x6e: {  	[tilespmem:s0], [sflag:$0xD] =	stream.linear.gather @!p0 [spmem:s13], $0x3E80, $0x38;
	[tilespmem:$0x1B080] =	vst v63  }
0x6f: {  	_ =	swait.ge @!p0 [sflag:s1], $0x3E80  }
0x70: {  	[sflag:s1] =	ssyncset.done @!p0 $0x0  }
0x71: {  	[sflag:s1] =	ssyncadd.s32 @!p0 $0xFFFFC180  }
0x72: {  	[hbm4b:s23+s17] =	stream.linear.scatter @!p0 [tilespmem:s0], [sflag:$0xD], $0x3E80, $0x38;
	[tilespmem:$0x1B080] =	vst v63  }
0x73: {  	_ =	swait.ge @!p0 [sflag:s1], $0x3E80  }
0x74: {  	[sflag:s1] =	ssyncset.done @!p0 $0x0  }
0x75: {  	[sflag:s1] =	ssyncadd.s32 @!p0 $0xFFFFC180  }
0x76: {  	[tilespmem:s0], [sflag:$0xD] =	stream.linear.gather @!p0 [spmem:s14], $0x3E80, $0x38;
	[tilespmem:$0x1B080] =	vst v63  }
0x77: {  	s31 =	sadd.s32 $0x1, s31;
	_ =	swait.ge @!p0 [sflag:s1], $0x3E80  }
0x78: {  	p1 =	sne.s32 s31, s15;
	[sflag:s1] =	ssyncset.done @!p0 $0x0  }
.Ltmp2:
0x79: {  	[sflag:s1] =	ssyncadd.s32 @!p0 $0xFFFFC180;
	(pc) =	sbr.rel @p1 .LBB2_1-.Ltmp2, $4  }
0x7a: {  	[hbm4b:s24+s17] =	stream.linear.scatter @!p0 [tilespmem:s0], [sflag:$0xD], $0x3E80, $0x38;
	[tilespmem:$0x1B080] =	vst v63  }
0x7b: {  	_ =	swait.ge @!p0 [sflag:s1], $0x3E80  }
0x7c: {  	[sflag:s1] =	ssyncset.done @!p0 $0x0  }
0x7d: {  	[sflag:s1] =	ssyncadd.s32 @!p0 $0xFFFFC180  }
0x7e: {  	_ =	sfence.sel $0x180000  }
0x7f: {  	[bflag:$0x0] =	sbarrier.arrive $0xFFFF  }
0x80: {  	_ =	strace $0x9000004A  }
0x81: {  	s0 =	stileid.u32;
	[bflag:$0x2] =	sbarrier.arrive $0xFFFF  }
0x82: {  	p0 =	sne.s32 s0, $0x0;
	s0 =	rddreg [dreg:$0x3]  }
0x83: {  	s0 =	sadd.s32 @!p0 $0x100000, s0  }
0x84: {  	[sflag:s0] =	ssyncadd.tile.s32 @!p0 $0x1;
	_ =	shalt  }
.Lfunc_end2:
_tile_overlayer_lowered:
.L_overlay_start_2:
0x85: {  	(tag) =	ssettag $0x2  }
0x86: {  	s0 =	rddreg [dreg:$0x0];
	s2 =	stileid.u32  }
0x87: {  	s1 =	rddreg [dreg:$0x1];
	p0 =	sne.s32 s2, $0x0  }
0x88: {  	s3 =	rddreg [dreg:$0x2];
	[bflag:$0x3] =	sbarrier.arrive $0xFFFF;
	s2 =	simm.s32 @!p0 $0x1C0D  }
0x89: {  	[timem:s3], [sflag:s2] =	dma.local @!p0 [hbm:s0], s1  }
0x8a: {  	s0 =	simm.s32 @!p0 $0xD  }
0x8b: {  	_ =	swait.ge @!p0 [sflag:s0], s1  }
0x8c: {  	s1 =	ssub.s32 @!p0 $0x0, s1;
	[sflag:s0] =	ssyncset.done @!p0 $0x0  }
0x8d: {  	[sflag:s0] =	ssyncadd.s32 @!p0 s1  }
0x8e: {  	[bflag:$0x3] =	sbarrier.arrive $0xFFFF  }
0x8f: {  	_ =	shalt  }

// kernel: kernel.7.cloned.1.call-start
scs
__scs_entry_jumppad:
0x0: {  	(pc) =	sbr.rel $0x88, $3  }
0x1: {  	(tag) =	ssettag $0x0;
	lr =	simm.s32 $0x1  }
0x2: {  	[smem:$0x3F9D] =	sst lr;
	_ =	strace $0xD0000000  }
0x3: {  	_ = 	snop  }
0x4: {  	_ = 	snop  }
0x5: {  	_ = 	snop  }
0x6: {  	_ = 	snop  }
0x7: {  	_ = 	snop  }
__scs_overlays_trampoline_lowered:
0x8: {  	[smem:$0x3FAC] =	sst s0  }
0x9: {  	[smem:$0x3FAD] =	sst s1  }
0xa: {  	[smem:$0x3FAE] =	sst s2  }
0xb: {  	[smem:$0x3FAF] =	sst s3  }
0xc: {  	[smem:$0x3FB0] =	sst s4  }
0xd: {  	[smem:$0x3FB1] =	sst s5  }
0xe: {  	[smem:$0x3FB2] =	sst s6  }
0xf: {  	[smem:$0x3FB3] =	sst s7  }
0x10: {  	[smem:$0x3FB4] =	sst s8  }
0x11: {  	[smem:$0x3FB5] =	sst s9;
	s0 =	simm.s32 @!p0 $0x0  }
0x12: {  	s1 =	sld [smem:$0x3F9B];
	s0 =	simm.s32 @p0 $0x1  }
0x13: {  	[smem:$0x3FB6] =	sst s0;
	s0 =	simm.s32 @!p1 $0x0  }
0x14: {  	s2 =	sld [smem:$0x3F9A];
	s0 =	simm.s32 @p1 $0x1  }
0x15: {  	[smem:$0x3FB7] =	sst s0;
	s0 =	simm.s32 @!p2 $0x0  }
0x16: {  	s3 =	sld [smem:$0x3FDB];
	s0 =	simm.s32 @p2 $0x1  }
0x17: {  	s4 =	simm.s32 $0x1BF5;
	[smem:$0x3FB9] =	sst s0  }
0x18: {  	s0 =	sld [smem:$0x3F9C];
	_ =	swait.ge [sflag:s4], $0x0  }
0x19: {  	s7 =	sld [smem:$0x3F9D]  }
0x1a: {  	s8 =	sadd.s32 $0xFFFFE003, lr  }
0x1b: {  	s9 =	sadd.s32 $0xFFFFFEF7, lr;
	s5 =	simm.s32 $0xFFFFFFFF;
	p2 =	slt.u32 s8, $0xFFFFF086  }
0x1c: {  	p1 =	slt.u32 s9, $0xF7A;
	s5 =	simm.s32 @!p2 $0x0  }
0x1d: {  	s5 =	simm.s32 @p1 $0x1;
	p0 =	seq.s32 s7, s2  }
0x1e: {  	s7 =	smul.u32 @!p0 $0xF7A, s2;
	p2 =	seq.s32 @!p0 s5, $0x0  }
0x1f: {  	s9 =	smul.u32 $0xF7A, s1;
	s8 =	simm.s32 @!p0 $0x1BF5;
	p2 =	por !p2, p0  }
0x20: {  	[sflag:s8] =	ssyncset.s32 @!p0 $0xFFFFF086;
	s6 =	sadd.s32 @!p0 s3, s7;
	s7 =	simm.s32 @!p0 $0x108  }
0x21: {  	s3 =	sadd.s32 s3, s9;
	s6 =	sadd.s32 @!p0 $0x88, s6;
	s7 =	simm.s32 @p2 $0x1082  }
0x22: {  	[simem:s7], [sflag:s8] =	dma.local @!p0 [hbm:s6], $0xF7A  }
0x23: {  	s9 =	sor.u32 $0xD0000000, s2;
	s6 =	simm.s32 $0x108;
	_ =	swait.ge @!p0 [sflag:s8], $0x0  }
0x24: {  	s3 =	sadd.s32 $0x88, s3;
	s6 =	simm.s32 @!p1 $0x1082;
	[sflag:s4] =	ssyncset.s32 $0xFFFFF086  }
0x25: {  	[simem:s6], [sflag:s4] =	dma.local [hbm:s3], $0xF7A  }
0x26: {  	[smem:$0x3F9D] =	sst s1;
	(tag) =	ssettag s2;
	_ =	strace s9  }
0x27: {  	s1 =	sld [smem:$0x3FAD]  }
0x28: {  	s2 =	sld [smem:$0x3FAE]  }
0x29: {  	s4 =	sld [smem:$0x3FB0]  }
0x2a: {  	p0 =	seq.s32 s5, $0x0;
	s5 =	sld [smem:$0x3FB1]  }
0x2b: {  	s6 =	sld [smem:$0x3FB2]  }
0x2c: {  	s7 =	sld [smem:$0x3FB3]  }
0x2d: {  	s3 =	simm.s32 $0x108;
	s8 =	sld [smem:$0x3FB4]  }
0x2e: {  	s3 =	simm.s32 @!p0 $0x1082;
	s9 =	sld [smem:$0x3FB5]  }
0x2f: {  	lr =	sadd.s32 s0, s3;
	s0 =	sld [smem:$0x3FAC]  }
0x30: {  	s3 =	sld [smem:$0x3FAF]  }
0x31: {  	[smem:$0x3FB8] =	sst s10  }
0x32: {  	s10 =	sld [smem:$0x3FB6];
	_ =	sdelay $0x3  }
0x33: {  	p0 =	seq.s32 s10, $0x1;
	s10 =	sld [smem:$0x3FB8];
	_ =	sdelay $0x3  }
0x34: {  	[smem:$0x3FB8] =	sst s10  }
0x35: {  	s10 =	sld [smem:$0x3FB7];
	_ =	sdelay $0x3  }
0x36: {  	p1 =	seq.s32 s10, $0x1;
	s10 =	sld [smem:$0x3FB8];
	_ =	sdelay $0x3  }
0x37: {  	[smem:$0x3FB8] =	sst s10  }
0x38: {  	s10 =	sld [smem:$0x3FB9]  }
0x39: {  	_ = 	snop;
	(pc) =	sbr.ind lr, $3  }
0x3a: {  	_ = 	snop  }
0x3b: {  	_ = 	snop  }
0x3c: {  	p2 =	seq.s32 s10, $0x1;
	s10 =	sld [smem:$0x3FB8]  }
0x3d: {  	_ =	shalt  }
0x3e: {  	_ =	shalt  }
0x3f: {  	_ =	shalt  }
0x40: {  	_ =	shalt  }
0x41: {  	_ =	shalt  }
0x42: {  	_ =	shalt  }
0x43: {  	_ =	shalt  }
0x44: {  	_ =	shalt  }
0x45: {  	_ =	shalt  }
0x46: {  	_ =	shalt  }
0x47: {  	_ =	shalt  }
0x48: {  	_ =	shalt  }
0x49: {  	_ =	shalt  }
0x4a: {  	_ =	shalt  }
0x4b: {  	_ =	shalt  }
0x4c: {  	_ =	shalt  }
0x4d: {  	_ =	shalt  }
0x4e: {  	_ =	shalt  }
0x4f: {  	_ =	shalt  }
0x50: {  	_ =	shalt  }
0x51: {  	_ =	shalt  }
0x52: {  	_ =	shalt  }
0x53: {  	_ =	shalt  }
0x54: {  	_ =	shalt  }
0x55: {  	_ =	shalt  }
0x56: {  	_ =	shalt  }
0x57: {  	_ =	shalt  }
0x58: {  	_ =	shalt  }
0x59: {  	_ =	shalt  }
0x5a: {  	_ =	shalt  }
0x5b: {  	_ =	shalt  }
0x5c: {  	_ =	shalt  }
0x5d: {  	_ =	shalt  }
0x5e: {  	_ =	shalt  }
0x5f: {  	_ =	shalt  }
0x60: {  	_ =	shalt  }
0x61: {  	_ =	shalt  }
0x62: {  	_ =	shalt  }
0x63: {  	_ =	shalt  }
0x64: {  	_ =	shalt  }
0x65: {  	_ =	shalt  }
0x66: {  	_ =	shalt  }
0x67: {  	_ =	shalt  }
0x68: {  	_ =	shalt  }
0x69: {  	_ =	shalt  }
0x6a: {  	_ =	shalt  }
0x6b: {  	_ =	shalt  }
0x6c: {  	_ =	shalt  }
0x6d: {  	_ =	shalt  }
0x6e: {  	_ =	shalt  }
0x6f: {  	_ =	shalt  }
0x70: {  	_ =	shalt  }
0x71: {  	_ =	shalt  }
0x72: {  	_ =	shalt  }
0x73: {  	_ =	shalt  }
0x74: {  	_ =	shalt  }
0x75: {  	_ =	shalt  }
0x76: {  	_ =	shalt  }
0x77: {  	_ =	shalt  }
0x78: {  	_ =	shalt  }
0x79: {  	_ =	shalt  }
0x7a: {  	_ =	shalt  }
0x7b: {  	_ =	shalt  }
0x7c: {  	_ =	shalt  }
0x7d: {  	_ =	shalt  }
0x7e: {  	_ =	shalt  }
0x7f: {  	_ =	shalt  }
0x80: {  	_ =	shalt  }
0x81: {  	_ =	shalt  }
0x82: {  	_ =	shalt  }
0x83: {  	_ =	shalt  }
0x84: {  	_ =	shalt  }
0x85: {  	_ =	shalt  }
0x86: {  	_ =	shalt  }
0x87: {  	_ =	shalt  }
.Lfunc_end0:
.L_simem_size_0:
called_computation_lowered:
.L_overlay_start_0:
0x88: {  	s2 =	sld [smem:$0x3FD9]  }
0x89: {  	s3 =	sld [smem:$0x3FFE];
	_ =	sdelay $0x1  }
0x8a: {  	s1 =	srdreg.scid  }
0x8b: {  	s0 =	sand.u32 $0x1, s1  }
0x8c: {  	s17 =	sshll.u32 s0, $0xA;
	s2 =	sadd.s32 s3, s2  }
0x8d: {  	s2 =	sadd.s32 s2, s17  }
0x8e: {  	[smem:$0x3FC4] =	sst s2  }
0x8f: {  	_ = 	snop  }
0x90: {  	s2 =	sld [smem:$0x3FD0];
	(tm) =	ssettm $0x1  }
0x91: {  	s18 =	sld [smem:$0x3FFB];
	_ =	sdelay $0x3  }
0x92: {  	_ =	strace s18  }
0x93: {  	s3 =	sld [smem:$0x3FFC];
	_ =	sdelay $0x3  }
0x94: {  	_ =	strace s3  }
0x95: {  	s3 =	sld [smem:$0x3FFD];
	_ =	sdelay $0x3  }
0x96: {  	_ =	strace s3  }
0x97: {  	_ =	strace $0x8FFFFFFF  }
0x98: {  	s19 =	sld [smem:$0x3FDB];
	_ =	sdelay $0x1  }
0x99: {  	s4 =	simm.s32 $_scs_section_size  }
0x9a: {  	s5 =	simm.s32 $_size__tile_overlayer_lowered;
	s6 =	simm.s32 $_tile_overlayer_lowered  }
0x9b: {  	s22 =	simm.s32 $0x1BFF;
	s21 =	sshll.u32 s6, $0x1;
	s3 =	sadd.s32 s4, s19  }
0x9c: {  	s7 =	simm.s32 $0x0;
	s20 =	sshll.u32 s5, $0x1;
	s5 =	sadd.s32 s21, s3  }
0x9d: {  	[timem:s7], [sflag:s22] =	dma.local [hbm:s5], s20  }
0x9e: {  	_ =	swait.ge [sflag:s22], s20  }
0x9f: {  	s4 =	ssub.s32 $0x0, s20;
	[sflag:s22] =	ssyncset.done $0x0  }
0xa0: {  	[sflag:s22] =	ssyncadd.s32 s4;
	_ =	sdelay $0x1  }
0xa1: {  	s23 =	simm.s32 $0x1B8B  }
0xa2: {  	_ =	swait.ge [sflag:s23], $0x1  }
0xa3: {  	[sflag:s23] =	ssyncset.done $0x0  }
0xa4: {  	s25 =	simm.s32 $0x1B8E;
	s24 =	sld [smem:$0x3FFE];
	[sflag:s23] =	ssyncadd.s32 $0xFFFFFFFF  }
0xa5: {  	s26 =	simm.s32 $execute0_lowered;
	[smem:$0x3FD2] =	sst s25  }
0xa6: {  	s5 =	sshll.u32 s26, $0x1;
	_ =	strace $0x80000046;
	[dreg:$0x1] =	wrdreg $0xFFFFFFFF  }
0xa7: {  	s28 =	simm.s32 $_size_execute0_lowered;
	s3 =	sadd.s32 s3, s5;
	[dreg:$0x0] =	wrdreg $0x0  }
0xa8: {  	s5 =	sshll.u32 s28, $0x1;
	[dreg:$0x2] =	wrdreg s3  }
0xa9: {  	[dreg:$0x3] =	wrdreg s5  }
0xaa: {  	[dreg:$0x4] =	wrdreg $0xC0  }
0xab: {  	_ =	task [dreg:s7], $0x5FFFF  }
0xac: {  	[dreg:$0x1] =	wrdreg $0xFFFFFFFF  }
0xad: {  	[dreg:$0x0] =	wrdreg $0x60  }
0xae: {  	[dreg:$0x2] =	wrdreg s24  }
0xaf: {  	[dreg:$0x3] =	wrdreg s2  }
0xb0: {  	[dreg:$0x4] =	wrdreg $0x4E700  }
0xb1: {  	[dreg:$0x5] =	wrdreg $0x9  }
0xb2: {  	_ =	task.clear_ibuf [dreg:s7], $0x6FFFF;
	_ =	strace $0x90000046  }
0xb3: {  	s29 =	simm.s32 $0x9;
	_ =	strace $0x80000048  }
0xb4: {  	_ =	swait.ge [sflag:s29], $0x1  }
0xb5: {  	[sflag:s29] =	ssyncadd.s32 $0xFFFFFFFF  }
0xb6: {  	_ =	strace $0x90000048  }
0xb7: {  	_ =	sfence  }
0xb8: {  	s30 =	sld [smem:$0x0];
	_ =	sdelay $0x2  }
0xb9: {  	s31 =	sshll.u32 s1, $0xD;
	s1 =	sshrl.u32 s1, $0x2  }
0xba: {  	s3 =	sand.u32 $0x4000, s31;
	s1 =	sadd.s32 s1, s30  }
0xbb: {  	s0 =	sor.u32 s3, s0;
	s1 =	sshll.u32 s1, $0x11  }
0xbc: {  	s0 =	sor.u32 s1, s0  }
0xbd: {  	s0 =	sadd.s32 $0x8F2B, s0  }
0xbe: {  	[sflag:s0] =	ssyncadd.remote.s32 $0x1  }
0xbf: {  	_ =	sfence.sel $0xFFFF  }
0xc0: {  	[dreg:$0x0] =	wrdreg $0xFFFFFFFF;
	(pc) =	sbr.abs _section_cstart, $3  }
0xc1: {  	[dreg:$0x1] =	wrdreg $0xFFFFFFFF  }
0xc2: {  	_ =	task.clear_ibuf [dreg:s7], $0x2FFFF;
	_ =	strace $0x9FFFFFFF  }
0xc3: {  	(tm) =	ssettm $0x7FFFFFFF  }
tec
execute0_lowered:
.L_overlay_start_1:
0x0: {  	(tag) =	ssettag $0x1  }
0x1: {  	s3 =	rddreg [dreg:$0x0]  }
0x2: {  	s5 =	rddreg [dreg:$0x1];
	s0 =	srdreg.scid  }
0x3: {  	s12 =	stileid.u32;
	s1 =	rddreg [dreg:$0x2];
	s2 =	simm.s32 $0x0  }
0x4: {  	s10 =	simm.s32 $0x2710;
	s11 =	simm.s32 $0x1;
	s6 =	smul.u32 $0x4E20, s12  }
0x5: {  	s4 =	sand.u32 $0x1, s0;
	s0 =	rddreg [dreg:$0x3];
	s8 =	smul.u32 $0x3E8, s12  }
0x6: {  	[smem:$0x7FF] =	sst s2;
	p0 =	sne.s32 s12, $0x0;
	s7 =	smul.u32 $0x2710, s4  }
0x7: {  	p1 =	sgt.u32 s12, $0x9;
	s12 =	simm.s32 $0x0;
	s4 =	ssub.s32 $0x2, s4  }
0x8: {  	_ =	strace $0x80000047;
	s9 =	sshrl.u32 s4, $0x1;
	s6 =	sadd.s32 s6, s7  }
0x9: {  	s7 =	sadd.s32 s8, s7;
	s9 =	ssub.s32 s4, s9;
	s4 =	sadd.s32 s8, s1  }
0xa: {  	s8 =	simm.s32 $0x2760;
	s6 =	sshrl.u32 s6, $0x3;
	s31 =	sshrl.u32 s7, $0x3  }
0xb: {  	s7 =	simm.s32 $0x2;
	s3 =	sadd.s32 s3, s6;
	s5 =	sadd.s32 s5, s31  }
0xc: {  	v0 =	vimm.f32 $1.000000000e+00;
	v1 =	vimm.f32 $0.0e+00;
	s6 =	smax.u32 s9, $0x1;
	s9 =	simm.s32 $0x50;
	s3 =	sadd.s32 $0xB240, s3  }
.LBB2_1:
0xd: {  	[tilespmem:s2], [sflag:$0x2] =	stream.linear.gather [hbm4b:s3+s2], $0x2710, $0x38;
	[tilespmem:$0x50E8] =	vst v63  }
0xe: {  	_ =	swait.ge [sflag:s7], $0x2710  }
0xf: {  	[sflag:s7] =	ssyncset.done $0x0  }
0x10: {  	[sflag:s7] =	ssyncadd.s32 $0xFFFFD8F0  }
.Ltmp0:
0x11: {  	[tilespmem:$0x2710] =	vst v0;
	(pc) =	sbr.rel @p0 .LBB2_5-.Ltmp0, $4  }
0x12: {  	[tilespmem:$0x2720] =	vst v0  }
0x13: {  	[tilespmem:$0x2730] =	vst v0  }
0x14: {  	[tilespmem:$0x2740] =	vst v0  }
0x15: {  	[tilespmem:$0x2750] =	vst v0  }
0x16: {  	s13 =	simm.s32 $0x40;
	s14 =	simm.s32 $0x0  }
.LBB2_3:
0x17: {  	p2 =	sne.s32 s13, $0x9C00;
	[tilespmem:s14+$0x2760] =	vst v1;
	s14 =	smov.u32 s13;
	s13 =	sadd.s32 $0x40, s13  }
.Ltmp1:
0x18: {  	(pc) =	sbr.rel @p2 .LBB2_3-.Ltmp1, $2  }
0x19: {  	_ =	sdelay $0x2  }
0x1a: {  	s14 =	sshra.s32 s14, $0x2  }
0x1b: {  	[tilespmem:s14+$0x2760] =	vst v1  }
0x1c: {  	[spmem:s1] =	stream.linear.scatter [tilespmem:s8], [sflag:$0x2], $0x2710, $0x38;
	[tilespmem:$0x50E8] =	vst v63  }
0x1d: {  	_ =	swait.ge [sflag:s7], $0x2710  }
0x1e: {  	[sflag:s7] =	ssyncset.done $0x0  }
0x1f: {  	[sflag:s7] =	ssyncadd.s32 $0xFFFFD8F0  }
.LBB2_5:
0x20: {  	[bflag:$0x0] =	sbarrier.arrive $0xFFFF;
	s13 =	simm.s32 $0x0  }
.LBB2_6:
0x21: {  	p2 =	sne.s32 s13, $0x9B00  }
.Ltmp2:
0x22: {  	_ = 	snop;
	(pc) =	sbr.rel @p2 .LBB2_6-.Ltmp2, $3  }
0x23: {  	_ =	sdelay $0x1  }
0x24: {  	s14 =	sshra.s32 s13, $0x2;
	s13 =	sadd.s32 $0x140, s13  }
0x25: {  	[spmem:s1] =	stream.indirect.scatter.add.f32 [tilespmem:s10], [sflag:$0x1], $0x1, s14, s9, $0xb8;
	[tilespmem:$0x50E8] =	vst v63  }
0x26: {  	_ =	swait.ge [sflag:s11], $0x50  }
0x27: {  	s13 =	simm.s32 $0x7C;
	[sflag:s11] =	ssyncset.done $0x0  }
.LBB2_8:
0x28: {  	p2 =	sne.s32 s13, $0x1;
	s13 =	sadd.s32 $0xFFFFFFFF, s13;
	[sflag:s11] =	ssyncadd.s32 $0xFFFFFFB0  }
.Ltmp3:
0x29: {  	(pc) =	sbr.rel @p2 .LBB2_8-.Ltmp3, $3  }
0x2a: {  	_ =	sdelay $0x1  }
0x2b: {  	_ =	swait.ge [sflag:s11], $0x50  }
0x2c: {  	[sflag:s11] =	ssyncset.done $0x0  }
0x2d: {  	[sflag:s11] =	ssyncadd.s32 $0xFFFFFFB0  }
0x2e: {  	s13 =	simm.s32 @!p1 $0x2760;
	s14 =	simm.s32 @!p1 $0x2;
	[bflag:$0x0] =	sbarrier.arrive $0xFFFF  }
0x2f: {  	[tilespmem:s13], [sflag:$0x2] =	stream.linear.gather @!p1 [spmem:s4], $0x3E8, $0x38;
	[tilespmem:$0x50E8] =	vst v63  }
0x30: {  	s12 =	sadd.s32 $0x1, s12;
	_ =	swait.ge @!p1 [sflag:s14], $0x3E8  }
0x31: {  	p2 =	sne.s32 s12, s6;
	[sflag:s14] =	ssyncset.done @!p1 $0x0  }
.Ltmp4:
0x32: {  	s15 =	simm.s32 @!p1 $0x0;
	[sflag:s14] =	ssyncadd.s32 @!p1 $0xFFFFFC18;
	(pc) =	sbr.rel @p2 .LBB2_1-.Ltmp4, $4  }
0x33: {  	[hbm4b:s5+s15] =	stream.linear.scatter @!p1 [tilespmem:s13], [sflag:$0x2], $0x3E8, $0x38;
	[tilespmem:$0x50E8] =	vst v63  }
0x34: {  	_ =	swait.ge @!p1 [sflag:s14], $0x3E8  }
0x35: {  	[sflag:s14] =	ssyncset.done @!p1 $0x0  }
0x36: {  	[sflag:s14] =	ssyncadd.s32 @!p1 $0xFFFFFC18  }
0x37: {  	_ =	sfence.sel $0x180000  }
0x38: {  	[bflag:$0x0] =	sbarrier.arrive $0xFFFF  }
0x39: {  	_ =	strace $0x90000047  }
0x3a: {  	s0 =	sadd.s32 @!p0 $0x100000, s0;
	[bflag:$0x2] =	sbarrier.arrive $0xFFFF  }
0x3b: {  	[sflag:s0] =	ssyncadd.tile.s32 @!p0 $0x1;
	_ =	shalt  }
.Lfunc_end2:
_tile_overlayer_lowered:
.L_overlay_start_2:
0x3c: {  	(tag) =	ssettag $0x2  }
0x3d: {  	s0 =	rddreg [dreg:$0x0];
	s2 =	stileid.u32  }
0x3e: {  	s1 =	rddreg [dreg:$0x1];
	p0 =	sne.s32 s2, $0x0  }
0x3f: {  	s3 =	rddreg [dreg:$0x2];
	[bflag:$0x3] =	sbarrier.arrive $0xFFFF;
	s2 =	simm.s32 @!p0 $0x1C02  }
0x40: {  	[timem:s3], [sflag:s2] =	dma.local @!p0 [hbm:s0], s1  }
0x41: {  	s0 =	simm.s32 @!p0 $0x2  }
0x42: {  	_ =	swait.ge @!p0 [sflag:s0], s1  }
0x43: {  	s1 =	ssub.s32 @!p0 $0x0, s1;
	[sflag:s0] =	ssyncset.done @!p0 $0x0  }
0x44: {  	[sflag:s0] =	ssyncadd.s32 @!p0 s1  }
0x45: {  	[bflag:$0x3] =	sbarrier.arrive $0xFFFF  }
0x46: {  	_ =	shalt  }

</sc_bundles>
